<compile_context>
chip_gen: v7x
topology: tpu7x:2x2x1
jax: 0.10.2.dev20260603
libtpu: 0.0.44.dev20260713+nightly
codegen_flags: <defaults>
</compile_context>

<pallas_src>
import functools

import jax
import jax.numpy as jnp
from jax import lax
from jax.experimental import pallas as pl
from jax.experimental.pallas import tpu as pltpu
from jax.experimental.pallas import tpu_sc as plsc

_CR = 16


def _make_sc_kernel(rows, ch, n):
    info = plsc.get_sparse_core_info()
    nw = info.num_cores * info.num_subcores
    chunk = rows // nw
    nsub = chunk // _CR
    assert nsub % 2 == 0
    mesh = plsc.VectorSubcoreMesh(core_axis_name="c", subcore_axis_name="s")

    @functools.partial(
        pl.kernel,
        mesh=mesh,
        out_type=jax.ShapeDtypeStruct((rows, n), jnp.float32),
        scratch_types=[
            pltpu.VMEM((n,), jnp.int32),
            pltpu.VMEM((_CR, ch), jnp.float32),
            pltpu.VMEM((_CR, ch), jnp.float32),
            pltpu.VMEM((_CR, n), jnp.float32),
            pltpu.VMEM((_CR, n), jnp.float32),
            pltpu.SemaphoreType.DMA,
            pltpu.SemaphoreType.DMA,
            pltpu.SemaphoreType.DMA,
            pltpu.SemaphoreType.DMA,
        ],
        compiler_params=pltpu.CompilerParams(needs_layout_passes=False),
    )
    def k(x_hbm, idx_hbm, out_hbm, idx_v, b0, b1, o0, o1, si0, si1, so0, so1):
        wid = lax.axis_index("s") * info.num_cores + lax.axis_index("c")
        base = wid * chunk
        pltpu.sync_copy(idx_hbm, idx_v)

        def in_copy(i, buf, sem):
            return pltpu.make_async_copy(
                x_hbm.at[pl.ds(base + i * _CR, _CR), :], buf, sem
            )

        def out_copy(i, obuf, sem):
            return pltpu.make_async_copy(
                obuf, out_hbm.at[pl.ds(base + i * _CR, _CR), :], sem
            )

        def compact(buf, obuf):
            for r in range(_CR):
                for g4 in range(n // 16):
                    cols = idx_v[pl.ds(g4 * 16, 16)]
                    rr = jnp.full((16,), r, jnp.int32)
                    obuf[r, pl.ds(g4 * 16, 16)] = plsc.load_gather(
                        buf, [rr, cols]
                    )

        in_copy(0, b0, si0).start()
        in_copy(1, b1, si1).start()

        def phase(i, buf, obuf, si, so):
            in_copy(i, buf, si).wait()

            @pl.when(i >= 2)
            def _():
                out_copy(i - 2, obuf, so).wait()

            compact(buf, obuf)
            out_copy(i, obuf, so).start()

            @pl.when(i + 2 < nsub)
            def _():
                in_copy(i + 2, buf, si).start()

        def step(g, carry):
            phase(2 * g, b0, o0, si0, so0)
            phase(2 * g + 1, b1, o1, si1, so1)
            return carry

        lax.fori_loop(0, nsub // 2, step, 0)
        out_copy(nsub - 2, o0, so0).wait()
        out_copy(nsub - 1, o1, so1).wait()

    return k


def kernel(x, indices):
    b, s, ch = x.shape
    n = indices.shape[0]
    rows = b * s
    x2 = x.reshape(rows, ch)
    out = _make_sc_kernel(rows, ch, n)(x2, indices)
    return out.reshape(b, s, n)

# --- scband reference (transcript-rebuilt; emitter-appended) ---
"""Pipeline reference for scband-slice-34772055228916 (READ-ONLY COPY).

The authoritative reference and input builder live on the scoring server;
editing this copy changes nothing except your own understanding.
"""

import jax, jax.numpy as jnp
import numpy as np

_INDICES = np.arange(0, 2048, 32, dtype=np.int32)  # 64 channel indices, matches init_kwargs


def setup_inputs(seed: int = 0) -> dict:
    key = jax.random.key(seed)
    x = jax.random.normal(key, (4, 4096, 2048), dtype=jnp.float32)
    indices = jnp.asarray(_INDICES, dtype=jnp.int32)
    return {"x": x, "indices": indices}


def reference(x, indices):
    # Faithful translation of the TF path: transpose -> gather -> transpose
    xt = jnp.transpose(x, (2, 0, 1))
    gt = jnp.take(xt, indices, axis=0)
    return jnp.transpose(gt, (1, 2, 0))

if __name__ == "__main__":
    import jax
    _d = setup_inputs()
    print(jax.jit(kernel)(*tuple(_d.values())))

</pallas_src>

<mosaic_0001>
#map = affine_map<(d0, d1) -> (0, 0)>
#map1 = affine_map<(d0, d1) -> (0)>
module attributes {stable_mosaic.version = 14 : i64} {
  func.func @k(%arg0: i32, %arg1: i32, %arg2: memref<16384x2048xf32, #tpu.memory_space<hbm>>, %arg3: memref<64xi32, #tpu.memory_space<hbm>>, %arg4: memref<16384x64xf32, #tpu.memory_space<hbm>>, %arg5: memref<64xi32, #tpu.memory_space<vmem>>, %arg6: memref<16x2048xf32, #tpu.memory_space<vmem>>, %arg7: memref<16x2048xf32, #tpu.memory_space<vmem>>, %arg8: memref<16x64xf32, #tpu.memory_space<vmem>>, %arg9: memref<16x64xf32, #tpu.memory_space<vmem>>, %arg10: memref<!tpu.dma_semaphore, #tpu.memory_space<semaphore_mem>>, %arg11: memref<!tpu.dma_semaphore, #tpu.memory_space<semaphore_mem>>, %arg12: memref<!tpu.dma_semaphore, #tpu.memory_space<semaphore_mem>>, %arg13: memref<!tpu.dma_semaphore, #tpu.memory_space<semaphore_mem>>) attributes {dimension_semantics = [#tpu.dimension_semantics<core_parallel>, #tpu.dimension_semantics<subcore_parallel>], iteration_bounds = array<i64: 2, 16>, scalar_prefetch = 0 : i64, scratch_operands = 9 : i64, tpu.core_type = #tpu.core_type<sc_vector_subcore>, window_params = [{transform_indices = #map}, {transform_indices = #map1}, {transform_indices = #map}]} {
    %mul3A = arith.constant 2 : i32
    %mul3A_0 = arith.muli %arg1, %mul3A : i32
    %add3A = arith.addi %mul3A_0, %arg0 : i32
    %mul3A_1 = arith.constant 512 : i32
    %mul3A_2 = arith.muli %add3A, %mul3A_1 : i32
    "tpu.region"() ({
      %run_scoped3A = tpu.sem_alloc : memref<!tpu.dma_semaphore, #tpu.memory_space<semaphore_mem>>
      tpu.enqueue_dma source(%arg3 : memref<64xi32, #tpu.memory_space<hbm>>) target(%arg5 : memref<64xi32, #tpu.memory_space<vmem>>) target_semaphore(%run_scoped3A : memref<!tpu.dma_semaphore, #tpu.memory_space<semaphore_mem>>)
      tpu.wait_dma2 semaphore(%run_scoped3A : memref<!tpu.dma_semaphore, #tpu.memory_space<semaphore_mem>>) src(%arg3 : memref<64xi32, #tpu.memory_space<hbm>>) dst(%arg5 : memref<64xi32, #tpu.memory_space<vmem>>)
      tpu.yield
    }) : () -> ()
    %add3A_3 = arith.constant 0 : i32
    %add3A_4 = arith.addi %mul3A_2, %add3A_3 : i32
    %dma_start3A = arith.constant 0 : i32
    %dma_start3A_5 = tpu.memref_slice %arg2[%add3A_4, %dma_start3A] : memref<16384x2048xf32, #tpu.memory_space<hbm>> -> memref<16x2048xf32, #tpu.memory_space<hbm>>
    %dma_start3A_6 = arith.constant 0 : i32
    %dma_start3A_7 = tpu.memref_slice %arg2[%add3A_4, %dma_start3A_6] : memref<16384x2048xf32, #tpu.memory_space<hbm>> -> memref<16x2048xf32, #tpu.memory_space<hbm>>
    tpu.enqueue_dma source(%dma_start3A_7 : memref<16x2048xf32, #tpu.memory_space<hbm>>) target(%arg6 : memref<16x2048xf32, #tpu.memory_space<vmem>>) target_semaphore(%arg10 : memref<!tpu.dma_semaphore, #tpu.memory_space<semaphore_mem>>)
    %add3A_8 = arith.constant 16 : i32
    %add3A_9 = arith.addi %mul3A_2, %add3A_8 : i32
    %dma_start3A_10 = arith.constant 0 : i32
    %dma_start3A_11 = tpu.memref_slice %arg2[%add3A_9, %dma_start3A_10] : memref<16384x2048xf32, #tpu.memory_space<hbm>> -> memref<16x2048xf32, #tpu.memory_space<hbm>>
    %dma_start3A_12 = arith.constant 0 : i32
    %dma_start3A_13 = tpu.memref_slice %arg2[%add3A_9, %dma_start3A_12] : memref<16384x2048xf32, #tpu.memory_space<hbm>> -> memref<16x2048xf32, #tpu.memory_space<hbm>>
    tpu.enqueue_dma source(%dma_start3A_13 : memref<16x2048xf32, #tpu.memory_space<hbm>>) target(%arg7 : memref<16x2048xf32, #tpu.memory_space<vmem>>) target_semaphore(%arg11 : memref<!tpu.dma_semaphore, #tpu.memory_space<semaphore_mem>>)
    %scan3A = arith.constant 0 : i32
    %scan3A_14 = arith.constant 0 : i32
    %scan3A_15 = arith.constant 16 : i32
    %scan3A_16 = arith.addi %scan3A_14, %scan3A_15 : i32
    %scan3A_17 = arith.constant 1 : i32
    scf.for %scan3A_30 = %scan3A_14 to %scan3A_16 step %scan3A_17  : i32 {
      %mul3A_31 = arith.constant 2 : i32
      %mul3A_32 = arith.muli %mul3A_31, %scan3A_30 : i32
      %mul3A_33 = arith.constant 16 : i32
      %mul3A_34 = arith.muli %mul3A_32, %mul3A_33 : i32
      %add3A_35 = arith.addi %mul3A_2, %mul3A_34 : i32
      %dma_wait3A_36 = arith.constant 0 : i32
      %dma_wait3A_37 = tpu.memref_slice %arg2[%add3A_35, %dma_wait3A_36] : memref<16384x2048xf32, #tpu.memory_space<hbm>> -> memref<16x2048xf32, #tpu.memory_space<hbm>>
      %dma_wait3A_38 = arith.constant 0 : i32
      %dma_wait3A_39 = tpu.memref_slice %arg2[%add3A_35, %dma_wait3A_38] : memref<16384x2048xf32, #tpu.memory_space<hbm>> -> memref<16x2048xf32, #tpu.memory_space<hbm>>
      tpu.wait_dma2 semaphore(%arg10 : memref<!tpu.dma_semaphore, #tpu.memory_space<semaphore_mem>>) src(%dma_wait3A_39 : memref<16x2048xf32, #tpu.memory_space<hbm>>) dst(%arg6 : memref<16x2048xf32, #tpu.memory_space<vmem>>)
      %ge3A = arith.constant 2 : i32
      %ge3A_40 = arith.cmpi sge, %mul3A_32, %ge3A : i32
      %convert_element_type3A = arith.extui %ge3A_40 : i1 to i32
      %cond3A = arith.constant 0 : i32
      %cond3A_41 = arith.cmpi ne, %convert_element_type3A, %cond3A : i32
      scf.if %cond3A_41 {
        %sub3A = arith.constant 2 : i32
        %sub3A_1233 = arith.subi %mul3A_32, %sub3A : i32
        %mul3A_1234 = arith.constant 16 : i32
        %mul3A_1235 = arith.muli %sub3A_1233, %mul3A_1234 : i32
        %add3A_1236 = arith.addi %mul3A_2, %mul3A_1235 : i32
        %dma_wait3A_1237 = arith.constant 0 : i32
        %dma_wait3A_1238 = tpu.memref_slice %arg4[%add3A_1236, %dma_wait3A_1237] : memref<16384x64xf32, #tpu.memory_space<hbm>> -> memref<16x64xf32, #tpu.memory_space<hbm>>
        %dma_wait3A_1239 = arith.constant 0 : i32
        %dma_wait3A_1240 = tpu.memref_slice %arg4[%add3A_1236, %dma_wait3A_1239] : memref<16384x64xf32, #tpu.memory_space<hbm>> -> memref<16x64xf32, #tpu.memory_space<hbm>>
        tpu.wait_dma2 semaphore(%arg12 : memref<!tpu.dma_semaphore, #tpu.memory_space<semaphore_mem>>) src(%arg8 : memref<16x64xf32, #tpu.memory_space<vmem>>) dst(%dma_wait3A_1240 : memref<16x64xf32, #tpu.memory_space<hbm>>)
      } else {
      }
      %get3A = arith.constant 0 : index
      %get3A_42 = tpu.vector_load %arg5[%get3A] {strides = array<i32>} : memref<64xi32, #tpu.memory_space<vmem>>, vector<16xi32>,
      %broadcast_in_dim3A = arith.constant 0 : i32
      %broadcast_in_dim3A_43 = vector.broadcast %broadcast_in_dim3A : i32 to vector<16xi32>
      %gather3A = tpu.vector_load_idx %arg6[%broadcast_in_dim3A_43, %get3A_42] : memref<16x2048xf32, #tpu.memory_space<vmem>>[vector<16xi32>, vector<16xi32>], vector<16xf32>,
      %swap3A = arith.constant 0 : i32
      %swap3A_44 = arith.index_cast %swap3A : i32 to index
      %swap3A_45 = arith.constant 0 : index
      %swap3A_46 = tpu.vector_load %arg8[%swap3A_44, %swap3A_45] {strides = array<i32>} : memref<16x64xf32, #tpu.memory_space<vmem>>, vector<16xf32>,
      tpu.vector_store %arg8[%swap3A_44, %swap3A_45], %gather3A {strides = array<i32>} : memref<16x64xf32, #tpu.memory_space<vmem>>, vector<16xf32>,
      %get3A_47 = arith.constant 16 : index
      %get3A_48 = tpu.vector_load %arg5[%get3A_47] {strides = array<i32>} : memref<64xi32, #tpu.memory_space<vmem>>, vector<16xi32>,
      %broadcast_in_dim3A_49 = arith.constant 0 : i32
      %broadcast_in_dim3A_50 = vector.broadcast %broadcast_in_dim3A_49 : i32 to vector<16xi32>
      %gather3A_51 = tpu.vector_load_idx %arg6[%broadcast_in_dim3A_50, %get3A_48] : memref<16x2048xf32, #tpu.memory_space<vmem>>[vector<16xi32>, vector<16xi32>], vector<16xf32>,
      %swap3A_52 = arith.constant 0 : i32
      %swap3A_53 = arith.index_cast %swap3A_52 : i32 to index
      %swap3A_54 = arith.constant 16 : index
      %swap3A_55 = tpu.vector_load %arg8[%swap3A_53, %swap3A_54] {strides = array<i32>} : memref<16x64xf32, #tpu.memory_space<vmem>>, vector<16xf32>,
      tpu.vector_store %arg8[%swap3A_53, %swap3A_54], %gather3A_51 {strides = array<i32>} : memref<16x64xf32, #tpu.memory_space<vmem>>, vector<16xf32>,
      %get3A_56 = arith.constant 32 : index
      %get3A_57 = tpu.vector_load %arg5[%get3A_56] {strides = array<i32>} : memref<64xi32, #tpu.memory_space<vmem>>, vector<16xi32>,
      %broadcast_in_dim3A_58 = arith.constant 0 : i32
      %broadcast_in_dim3A_59 = vector.broadcast %broadcast_in_dim3A_58 : i32 to vector<16xi32>
      %gather3A_60 = tpu.vector_load_idx %arg6[%broadcast_in_dim3A_59, %get3A_57] : memref<16x2048xf32, #tpu.memory_space<vmem>>[vector<16xi32>, vector<16xi32>], vector<16xf32>,
      %swap3A_61 = arith.constant 0 : i32
      %swap3A_62 = arith.index_cast %swap3A_61 : i32 to index
      %swap3A_63 = arith.constant 32 : index
      %swap3A_64 = tpu.vector_load %arg8[%swap3A_62, %swap3A_63] {strides = array<i32>} : memref<16x64xf32, #tpu.memory_space<vmem>>, vector<16xf32>,
      tpu.vector_store %arg8[%swap3A_62, %swap3A_63], %gather3A_60 {strides = array<i32>} : memref<16x64xf32, #tpu.memory_space<vmem>>, vector<16xf32>,
      %get3A_65 = arith.constant 48 : index
      %get3A_66 = tpu.vector_load %arg5[%get3A_65] {strides = array<i32>} : memref<64xi32, #tpu.memory_space<vmem>>, vector<16xi32>,
      %broadcast_in_dim3A_67 = arith.constant 0 : i32
      %broadcast_in_dim3A_68 = vector.broadcast %broadcast_in_dim3A_67 : i32 to vector<16xi32>
      %gather3A_69 = tpu.vector_load_idx %arg6[%broadcast_in_dim3A_68, %get3A_66] : memref<16x2048xf32, #tpu.memory_space<vmem>>[vector<16xi32>, vector<16xi32>], vector<16xf32>,
      %swap3A_70 = arith.constant 0 : i32
      %swap3A_71 = arith.index_cast %swap3A_70 : i32 to index
      %swap3A_72 = arith.constant 48 : index
      %swap3A_73 = tpu.vector_load %arg8[%swap3A_71, %swap3A_72] {strides = array<i32>} : memref<16x64xf32, #tpu.memory_space<vmem>>, vector<16xf32>,
      tpu.vector_store %arg8[%swap3A_71, %swap3A_72], %gather3A_69 {strides = array<i32>} : memref<16x64xf32, #tpu.memory_space<vmem>>, vector<16xf32>,
      %get3A_74 = arith.constant 0 : index
      %get3A_75 = tpu.vector_load %arg5[%get3A_74] {strides = array<i32>} : memref<64xi32, #tpu.memory_space<vmem>>, vector<16xi32>,
      %broadcast_in_dim3A_76 = arith.constant 1 : i32
      %broadcast_in_dim3A_77 = vector.broadcast %broadcast_in_dim3A_76 : i32 to vector<16xi32>
      %gather3A_78 = tpu.vector_load_idx %arg6[%broadcast_in_dim3A_77, %get3A_75] : memref<16x2048xf32, #tpu.memory_space<vmem>>[vector<16xi32>, vector<16xi32>], vector<16xf32>,
      %swap3A_79 = arith.constant 1 : i32
      %swap3A_80 = arith.index_cast %swap3A_79 : i32 to index
      %swap3A_81 = arith.constant 0 : index
      %swap3A_82 = tpu.vector_load %arg8[%swap3A_80, %swap3A_81] {strides = array<i32>} : memref<16x64xf32, #tpu.memory_space<vmem>>, vector<16xf32>,
      tpu.vector_store %arg8[%swap3A_80, %swap3A_81], %gather3A_78 {strides = array<i32>} : memref<16x64xf32, #tpu.memory_space<vmem>>, vector<16xf32>,
      %get3A_83 = arith.constant 16 : index
      %get3A_84 = tpu.vector_load %arg5[%get3A_83] {strides = array<i32>} : memref<64xi32, #tpu.memory_space<vmem>>, vector<16xi32>,
      %broadcast_in_dim3A_85 = arith.constant 1 : i32
      %broadcast_in_dim3A_86 = vector.broadcast %broadcast_in_dim3A_85 : i32 to vector<16xi32>
      %gather3A_87 = tpu.vector_load_idx %arg6[%broadcast_in_dim3A_86, %get3A_84] : memref<16x2048xf32, #tpu.memory_space<vmem>>[vector<16xi32>, vector<16xi32>], vector<16xf32>,
      %swap3A_88 = arith.constant 1 : i32
      %swap3A_89 = arith.index_cast %swap3A_88 : i32 to index
      %swap3A_90 = arith.constant 16 : index
      %swap3A_91 = tpu.vector_load %arg8[%swap3A_89, %swap3A_90] {strides = array<i32>} : memref<16x64xf32, #tpu.memory_space<vmem>>, vector<16xf32>,
      tpu.vector_store %arg8[%swap3A_89, %swap3A_90], %gather3A_87 {strides = array<i32>} : memref<16x64xf32, #tpu.memory_space<vmem>>, vector<16xf32>,
      %get3A_92 = arith.constant 32 : index
      %get3A_93 = tpu.vector_load %arg5[%get3A_92] {strides = array<i32>} : memref<64xi32, #tpu.memory_space<vmem>>, vector<16xi32>,
      %broadcast_in_dim3A_94 = arith.constant 1 : i32
      %broadcast_in_dim3A_95 = vector.broadcast %broadcast_in_dim3A_94 : i32 to vector<16xi32>
      %gather3A_96 = tpu.vector_load_idx %arg6[%broadcast_in_dim3A_95, %get3A_93] : memref<16x2048xf32, #tpu.memory_space<vmem>>[vector<16xi32>, vector<16xi32>], vector<16xf32>,
      %swap3A_97 = arith.constant 1 : i32
      %swap3A_98 = arith.index_cast %swap3A_97 : i32 to index
      %swap3A_99 = arith.constant 32 : index
      %swap3A_100 = tpu.vector_load %arg8[%swap3A_98, %swap3A_99] {strides = array<i32>} : memref<16x64xf32, #tpu.memory_space<vmem>>, vector<16xf32>,
      tpu.vector_store %arg8[%swap3A_98, %swap3A_99], %gather3A_96 {strides = array<i32>} : memref<16x64xf32, #tpu.memory_space<vmem>>, vector<16xf32>,
      %get3A_101 = arith.constant 48 : index
      %get3A_102 = tpu.vector_load %arg5[%get3A_101] {strides = array<i32>} : memref<64xi32, #tpu.memory_space<vmem>>, vector<16xi32>,
      %broadcast_in_dim3A_103 = arith.constant 1 : i32
      %broadcast_in_dim3A_104 = vector.broadcast %broadcast_in_dim3A_103 : i32 to vector<16xi32>
      %gather3A_105 = tpu.vector_load_idx %arg6[%broadcast_in_dim3A_104, %get3A_102] : memref<16x2048xf32, #tpu.memory_space<vmem>>[vector<16xi32>, vector<16xi32>], vector<16xf32>,
      %swap3A_106 = arith.constant 1 : i32
      %swap3A_107 = arith.index_cast %swap3A_106 : i32 to index
      %swap3A_108 = arith.constant 48 : index
      %swap3A_109 = tpu.vector_load %arg8[%swap3A_107, %swap3A_108] {strides = array<i32>} : memref<16x64xf32, #tpu.memory_space<vmem>>, vector<16xf32>,
      tpu.vector_store %arg8[%swap3A_107, %swap3A_108], %gather3A_105 {strides = array<i32>} : memref<16x64xf32, #tpu.memory_space<vmem>>, vector<16xf32>,
      %get3A_110 = arith.constant 0 : index
      %get3A_111 = tpu.vector_load %arg5[%get3A_110] {strides = array<i32>} : memref<64xi32, #tpu.memory_space<vmem>>, vector<16xi32>,
      %broadcast_in_dim3A_112 = arith.constant 2 : i32
      %broadcast_in_dim3A_113 = vector.broadcast %broadcast_in_dim3A_112 : i32 to vector<16xi32>
      %gather3A_114 = tpu.vector_load_idx %arg6[%broadcast_in_dim3A_113, %get3A_111] : memref<16x2048xf32, #tpu.memory_space<vmem>>[vector<16xi32>, vector<16xi32>], vector<16xf32>,
      %swap3A_115 = arith.constant 2 : i32
      %swap3A_116 = arith.index_cast %swap3A_115 : i32 to index
      %swap3A_117 = arith.constant 0 : index
      %swap3A_118 = tpu.vector_load %arg8[%swap3A_116, %swap3A_117] {strides = array<i32>} : memref<16x64xf32, #tpu.memory_space<vmem>>, vector<16xf32>,
      tpu.vector_store %arg8[%swap3A_116, %swap3A_117], %gather3A_114 {strides = array<i32>} : memref<16x64xf32, #tpu.memory_space<vmem>>, vector<16xf32>,
      %get3A_119 = arith.constant 16 : index
      %get3A_120 = tpu.vector_load %arg5[%get3A_119] {strides = array<i32>} : memref<64xi32, #tpu.memory_space<vmem>>, vector<16xi32>,
      %broadcast_in_dim3A_121 = arith.constant 2 : i32
      %broadcast_in_dim3A_122 = vector.broadcast %broadcast_in_dim3A_121 : i32 to vector<16xi32>
      %gather3A_123 = tpu.vector_load_idx %arg6[%broadcast_in_dim3A_122, %get3A_120] : memref<16x2048xf32, #tpu.memory_space<vmem>>[vector<16xi32>, vector<16xi32>], vector<16xf32>,
      %swap3A_124 = arith.constant 2 : i32
      %swap3A_125 = arith.index_cast %swap3A_124 : i32 to index
      %swap3A_126 = arith.constant 16 : index
      %swap3A_127 = tpu.vector_load %arg8[%swap3A_125, %swap3A_126] {strides = array<i32>} : memref<16x64xf32, #tpu.memory_space<vmem>>, vector<16xf32>,
      tpu.vector_store %arg8[%swap3A_125, %swap3A_126], %gather3A_123 {strides = array<i32>} : memref<16x64xf32, #tpu.memory_space<vmem>>, vector<16xf32>,
      %get3A_128 = arith.constant 32 : index
      %get3A_129 = tpu.vector_load %arg5[%get3A_128] {strides = array<i32>} : memref<64xi32, #tpu.memory_space<vmem>>, vector<16xi32>,
      %broadcast_in_dim3A_130 = arith.constant 2 : i32
      %broadcast_in_dim3A_131 = vector.broadcast %broadcast_in_dim3A_130 : i32 to vector<16xi32>
      %gather3A_132 = tpu.vector_load_idx %arg6[%broadcast_in_dim3A_131, %get3A_129] : memref<16x2048xf32, #tpu.memory_space<vmem>>[vector<16xi32>, vector<16xi32>], vector<16xf32>,
      %swap3A_133 = arith.constant 2 : i32
      %swap3A_134 = arith.index_cast %swap3A_133 : i32 to index
      %swap3A_135 = arith.constant 32 : index
      %swap3A_136 = tpu.vector_load %arg8[%swap3A_134, %swap3A_135] {strides = array<i32>} : memref<16x64xf32, #tpu.memory_space<vmem>>, vector<16xf32>,
      tpu.vector_store %arg8[%swap3A_134, %swap3A_135], %gather3A_132 {strides = array<i32>} : memref<16x64xf32, #tpu.memory_space<vmem>>, vector<16xf32>,
      %get3A_137 = arith.constant 48 : index
      %get3A_138 = tpu.vector_load %arg5[%get3A_137] {strides = array<i32>} : memref<64xi32, #tpu.memory_space<vmem>>, vector<16xi32>,
      %broadcast_in_dim3A_139 = arith.constant 2 : i32
      %broadcast_in_dim3A_140 = vector.broadcast %broadcast_in_dim3A_139 : i32 to vector<16xi32>
      %gather3A_141 = tpu.vector_load_idx %arg6[%broadcast_in_dim3A_140, %get3A_138] : memref<16x2048xf32, #tpu.memory_space<vmem>>[vector<16xi32>, vector<16xi32>], vector<16xf32>,
      %swap3A_142 = arith.constant 2 : i32
      %swap3A_143 = arith.index_cast %swap3A_142 : i32 to index
      %swap3A_144 = arith.constant 48 : index
      %swap3A_145 = tpu.vector_load %arg8[%swap3A_143, %swap3A_144] {strides = array<i32>} : memref<16x64xf32, #tpu.memory_space<vmem>>, vector<16xf32>,
      tpu.vector_store %arg8[%swap3A_143, %swap3A_144], %gather3A_141 {strides = array<i32>} : memref<16x64xf32, #tpu.memory_space<vmem>>, vector<16xf32>,
      %get3A_146 = arith.constant 0 : index
      %get3A_147 = tpu.vector_load %arg5[%get3A_146] {strides = array<i32>} : memref<64xi32, #tpu.memory_space<vmem>>, vector<16xi32>,
      %broadcast_in_dim3A_148 = arith.constant 3 : i32
      %broadcast_in_dim3A_149 = vector.broadcast %broadcast_in_dim3A_148 : i32 to vector<16xi32>
      %gather3A_150 = tpu.vector_load_idx %arg6[%broadcast_in_dim3A_149, %get3A_147] : memref<16x2048xf32, #tpu.memory_space<vmem>>[vector<16xi32>, vector<16xi32>], vector<16xf32>,
      %swap3A_151 = arith.constant 3 : i32
      %swap3A_152 = arith.index_cast %swap3A_151 : i32 to index
      %swap3A_153 = arith.constant 0 : index
      %swap3A_154 = tpu.vector_load %arg8[%swap3A_152, %swap3A_153] {strides = array<i32>} : memref<16x64xf32, #tpu.memory_space<vmem>>, vector<16xf32>,
      tpu.vector_store %arg8[%swap3A_152, %swap3A_153], %gather3A_150 {strides = array<i32>} : memref<16x64xf32, #tpu.memory_space<vmem>>, vector<16xf32>,
      %get3A_155 = arith.constant 16 : index
      %get3A_156 = tpu.vector_load %arg5[%get3A_155] {strides = array<i32>} : memref<64xi32, #tpu.memory_space<vmem>>, vector<16xi32>,
      %broadcast_in_dim3A_157 = arith.constant 3 : i32
      %broadcast_in_dim3A_158 = vector.broadcast %broadcast_in_dim3A_157 : i32 to vector<16xi32>
      %gather3A_159 = tpu.vector_load_idx %arg6[%broadcast_in_dim3A_158, %get3A_156] : memref<16x2048xf32, #tpu.memory_space<vmem>>[vector<16xi32>, vector<16xi32>], vector<16xf32>,
      %swap3A_160 = arith.constant 3 : i32
      %swap3A_161 = arith.index_cast %swap3A_160 : i32 to index
      %swap3A_162 = arith.constant 16 : index
      %swap3A_163 = tpu.vector_load %arg8[%swap3A_161, %swap3A_162] {strides = array<i32>} : memref<16x64xf32, #tpu.memory_space<vmem>>, vector<16xf32>,
      tpu.vector_store %arg8[%swap3A_161, %swap3A_162], %gather3A_159 {strides = array<i32>} : memref<16x64xf32, #tpu.memory_space<vmem>>, vector<16xf32>,
      %get3A_164 = arith.constant 32 : index
      %get3A_165 = tpu.vector_load %arg5[%get3A_164] {strides = array<i32>} : memref<64xi32, #tpu.memory_space<vmem>>, vector<16xi32>,
      %broadcast_in_dim3A_166 = arith.constant 3 : i32
      %broadcast_in_dim3A_167 = vector.broadcast %broadcast_in_dim3A_166 : i32 to vector<16xi32>
      %gather3A_168 = tpu.vector_load_idx %arg6[%broadcast_in_dim3A_167, %get3A_165] : memref<16x2048xf32, #tpu.memory_space<vmem>>[vector<16xi32>, vector<16xi32>], vector<16xf32>,
      %swap3A_169 = arith.constant 3 : i32
      %swap3A_170 = arith.index_cast %swap3A_169 : i32 to index
      %swap3A_171 = arith.constant 32 : index
      %swap3A_172 = tpu.vector_load %arg8[%swap3A_170, %swap3A_171] {strides = array<i32>} : memref<16x64xf32, #tpu.memory_space<vmem>>, vector<16xf32>,
      tpu.vector_store %arg8[%swap3A_170, %swap3A_171], %gather3A_168 {strides = array<i32>} : memref<16x64xf32, #tpu.memory_space<vmem>>, vector<16xf32>,
      %get3A_173 = arith.constant 48 : index
      %get3A_174 = tpu.vector_load %arg5[%get3A_173] {strides = array<i32>} : memref<64xi32, #tpu.memory_space<vmem>>, vector<16xi32>,
      %broadcast_in_dim3A_175 = arith.constant 3 : i32
      %broadcast_in_dim3A_176 = vector.broadcast %broadcast_in_dim3A_175 : i32 to vector<16xi32>
      %gather3A_177 = tpu.vector_load_idx %arg6[%broadcast_in_dim3A_176, %get3A_174] : memref<16x2048xf32, #tpu.memory_space<vmem>>[vector<16xi32>, vector<16xi32>], vector<16xf32>,
      %swap3A_178 = arith.constant 3 : i32
      %swap3A_179 = arith.index_cast %swap3A_178 : i32 to index
      %swap3A_180 = arith.constant 48 : index
      %swap3A_181 = tpu.vector_load %arg8[%swap3A_179, %swap3A_180] {strides = array<i32>} : memref<16x64xf32, #tpu.memory_space<vmem>>, vector<16xf32>,
      tpu.vector_store %arg8[%swap3A_179, %swap3A_180], %gather3A_177 {strides = array<i32>} : memref<16x64xf32, #tpu.memory_space<vmem>>, vector<16xf32>,
      %get3A_182 = arith.constant 0 : index
      %get3A_183 = tpu.vector_load %arg5[%get3A_182] {strides = array<i32>} : memref<64xi32, #tpu.memory_space<vmem>>, vector<16xi32>,
      %broadcast_in_dim3A_184 = arith.constant 4 : i32
      %broadcast_in_dim3A_185 = vector.broadcast %broadcast_in_dim3A_184 : i32 to vector<16xi32>
      %gather3A_186 = tpu.vector_load_idx %arg6[%broadcast_in_dim3A_185, %get3A_183] : memref<16x2048xf32, #tpu.memory_space<vmem>>[vector<16xi32>, vector<16xi32>], vector<16xf32>,
      %swap3A_187 = arith.constant 4 : i32
      %swap3A_188 = arith.index_cast %swap3A_187 : i32 to index
      %swap3A_189 = arith.constant 0 : index
      %swap3A_190 = tpu.vector_load %arg8[%swap3A_188, %swap3A_189] {strides = array<i32>} : memref<16x64xf32, #tpu.memory_space<vmem>>, vector<16xf32>,
      tpu.vector_store %arg8[%swap3A_188, %swap3A_189], %gather3A_186 {strides = array<i32>} : memref<16x64xf32, #tpu.memory_space<vmem>>, vector<16xf32>,
      %get3A_191 = arith.constant 16 : index
      %get3A_192 = tpu.vector_load %arg5[%get3A_191] {strides = array<i32>} : memref<64xi32, #tpu.memory_space<vmem>>, vector<16xi32>,
      %broadcast_in_dim3A_193 = arith.constant 4 : i32
      %broadcast_in_dim3A_194 = vector.broadcast %broadcast_in_dim3A_193 : i32 to vector<16xi32>
      %gather3A_195 = tpu.vector_load_idx %arg6[%broadcast_in_dim3A_194, %get3A_192] : memref<16x2048xf32, #tpu.memory_space<vmem>>[vector<16xi32>, vector<16xi32>], vector<16xf32>,
      %swap3A_196 = arith.constant 4 : i32
      %swap3A_197 = arith.index_cast %swap3A_196 : i32 to index
      %swap3A_198 = arith.constant 16 : index
      %swap3A_199 = tpu.vector_load %arg8[%swap3A_197, %swap3A_198] {strides = array<i32>} : memref<16x64xf32, #tpu.memory_space<vmem>>, vector<16xf32>,
      tpu.vector_store %arg8[%swap3A_197, %swap3A_198], %gather3A_195 {strides = array<i32>} : memref<16x64xf32, #tpu.memory_space<vmem>>, vector<16xf32>,
      %get3A_200 = arith.constant 32 : index
      %get3A_201 = tpu.vector_load %arg5[%get3A_200] {strides = array<i32>} : memref<64xi32, #tpu.memory_space<vmem>>, vector<16xi32>,
      %broadcast_in_dim3A_202 = arith.constant 4 : i32
      %broadcast_in_dim3A_203 = vector.broadcast %broadcast_in_dim3A_202 : i32 to vector<16xi32>
      %gather3A_204 = tpu.vector_load_idx %arg6[%broadcast_in_dim3A_203, %get3A_201] : memref<16x2048xf32, #tpu.memory_space<vmem>>[vector<16xi32>, vector<16xi32>], vector<16xf32>,
      %swap3A_205 = arith.constant 4 : i32
      %swap3A_206 = arith.index_cast %swap3A_205 : i32 to index
      %swap3A_207 = arith.constant 32 : index
      %swap3A_208 = tpu.vector_load %arg8[%swap3A_206, %swap3A_207] {strides = array<i32>} : memref<16x64xf32, #tpu.memory_space<vmem>>, vector<16xf32>,
      tpu.vector_store %arg8[%swap3A_206, %swap3A_207], %gather3A_204 {strides = array<i32>} : memref<16x64xf32, #tpu.memory_space<vmem>>, vector<16xf32>,
      %get3A_209 = arith.constant 48 : index
      %get3A_210 = tpu.vector_load %arg5[%get3A_209] {strides = array<i32>} : memref<64xi32, #tpu.memory_space<vmem>>, vector<16xi32>,
      %broadcast_in_dim3A_211 = arith.constant 4 : i32
      %broadcast_in_dim3A_212 = vector.broadcast %broadcast_in_dim3A_211 : i32 to vector<16xi32>
      %gather3A_213 = tpu.vector_load_idx %arg6[%broadcast_in_dim3A_212, %get3A_210] : memref<16x2048xf32, #tpu.memory_space<vmem>>[vector<16xi32>, vector<16xi32>], vector<16xf32>,
      %swap3A_214 = arith.constant 4 : i32
      %swap3A_215 = arith.index_cast %swap3A_214 : i32 to index
      %swap3A_216 = arith.constant 48 : index
      %swap3A_217 = tpu.vector_load %arg8[%swap3A_215, %swap3A_216] {strides = array<i32>} : memref<16x64xf32, #tpu.memory_space<vmem>>, vector<16xf32>,
      tpu.vector_store %arg8[%swap3A_215, %swap3A_216], %gather3A_213 {strides = array<i32>} : memref<16x64xf32, #tpu.memory_space<vmem>>, vector<16xf32>,
      %get3A_218 = arith.constant 0 : index
      %get3A_219 = tpu.vector_load %arg5[%get3A_218] {strides = array<i32>} : memref<64xi32, #tpu.memory_space<vmem>>, vector<16xi32>,
      %broadcast_in_dim3A_220 = arith.constant 5 : i32
      %broadcast_in_dim3A_221 = vector.broadcast %broadcast_in_dim3A_220 : i32 to vector<16xi32>
      %gather3A_222 = tpu.vector_load_idx %arg6[%broadcast_in_dim3A_221, %get3A_219] : memref<16x2048xf32, #tpu.memory_space<vmem>>[vector<16xi32>, vector<16xi32>], vector<16xf32>,
      %swap3A_223 = arith.constant 5 : i32
      %swap3A_224 = arith.index_cast %swap3A_223 : i32 to index
      %swap3A_225 = arith.constant 0 : index
      %swap3A_226 = tpu.vector_load %arg8[%swap3A_224, %swap3A_225] {strides = array<i32>} : memref<16x64xf32, #tpu.memory_space<vmem>>, vector<16xf32>,
      tpu.vector_store %arg8[%swap3A_224, %swap3A_225], %gather3A_222 {strides = array<i32>} : memref<16x64xf32, #tpu.memory_space<vmem>>, vector<16xf32>,
      %get3A_227 = arith.constant 16 : index
      %get3A_228 = tpu.vector_load %arg5[%get3A_227] {strides = array<i32>} : memref<64xi32, #tpu.memory_space<vmem>>, vector<16xi32>,
      %broadcast_in_dim3A_229 = arith.constant 5 : i32
      %broadcast_in_dim3A_230 = vector.broadcast %broadcast_in_dim3A_229 : i32 to vector<16xi32>
      %gather3A_231 = tpu.vector_load_idx %arg6[%broadcast_in_dim3A_230, %get3A_228] : memref<16x2048xf32, #tpu.memory_space<vmem>>[vector<16xi32>, vector<16xi32>], vector<16xf32>,
      %swap3A_232 = arith.constant 5 : i32
      %swap3A_233 = arith.index_cast %swap3A_232 : i32 to index
      %swap3A_234 = arith.constant 16 : index
      %swap3A_235 = tpu.vector_load %arg8[%swap3A_233, %swap3A_234] {strides = array<i32>} : memref<16x64xf32, #tpu.memory_space<vmem>>, vector<16xf32>,
      tpu.vector_store %arg8[%swap3A_233, %swap3A_234], %gather3A_231 {strides = array<i32>} : memref<16x64xf32, #tpu.memory_space<vmem>>, vector<16xf32>,
      %get3A_236 = arith.constant 32 : index
      %get3A_237 = tpu.vector_load %arg5[%get3A_236] {strides = array<i32>} : memref<64xi32, #tpu.memory_space<vmem>>, vector<16xi32>,
      %broadcast_in_dim3A_238 = arith.constant 5 : i32
      %broadcast_in_dim3A_239 = vector.broadcast %broadcast_in_dim3A_238 : i32 to vector<16xi32>
      %gather3A_240 = tpu.vector_load_idx %arg6[%broadcast_in_dim3A_239, %get3A_237] : memref<16x2048xf32, #tpu.memory_space<vmem>>[vector<16xi32>, vector<16xi32>], vector<16xf32>,
      %swap3A_241 = arith.constant 5 : i32
      %swap3A_242 = arith.index_cast %swap3A_241 : i32 to index
      %swap3A_243 = arith.constant 32 : index
      %swap3A_244 = tpu.vector_load %arg8[%swap3A_242, %swap3A_243] {strides = array<i32>} : memref<16x64xf32, #tpu.memory_space<vmem>>, vector<16xf32>,
      tpu.vector_store %arg8[%swap3A_242, %swap3A_243], %gather3A_240 {strides = array<i32>} : memref<16x64xf32, #tpu.memory_space<vmem>>, vector<16xf32>,
      %get3A_245 = arith.constant 48 : index
      %get3A_246 = tpu.vector_load %arg5[%get3A_245] {strides = array<i32>} : memref<64xi32, #tpu.memory_space<vmem>>, vector<16xi32>,
      %broadcast_in_dim3A_247 = arith.constant 5 : i32
      %broadcast_in_dim3A_248 = vector.broadcast %broadcast_in_dim3A_247 : i32 to vector<16xi32>
      %gather3A_249 = tpu.vector_load_idx %arg6[%broadcast_in_dim3A_248, %get3A_246] : memref<16x2048xf32, #tpu.memory_space<vmem>>[vector<16xi32>, vector<16xi32>], vector<16xf32>,
      %swap3A_250 = arith.constant 5 : i32
      %swap3A_251 = arith.index_cast %swap3A_250 : i32 to index
      %swap3A_252 = arith.constant 48 : index
      %swap3A_253 = tpu.vector_load %arg8[%swap3A_251, %swap3A_252] {strides = array<i32>} : memref<16x64xf32, #tpu.memory_space<vmem>>, vector<16xf32>,
      tpu.vector_store %arg8[%swap3A_251, %swap3A_252], %gather3A_249 {strides = array<i32>} : memref<16x64xf32, #tpu.memory_space<vmem>>, vector<16xf32>,
      %get3A_254 = arith.constant 0 : index
      %get3A_255 = tpu.vector_load %arg5[%get3A_254] {strides = array<i32>} : memref<64xi32, #tpu.memory_space<vmem>>, vector<16xi32>,
      %broadcast_in_dim3A_256 = arith.constant 6 : i32
      %broadcast_in_dim3A_257 = vector.broadcast %broadcast_in_dim3A_256 : i32 to vector<16xi32>
      %gather3A_258 = tpu.vector_load_idx %arg6[%broadcast_in_dim3A_257, %get3A_255] : memref<16x2048xf32, #tpu.memory_space<vmem>>[vector<16xi32>, vector<16xi32>], vector<16xf32>,
      %swap3A_259 = arith.constant 6 : i32
      %swap3A_260 = arith.index_cast %swap3A_259 : i32 to index
      %swap3A_261 = arith.constant 0 : index
      %swap3A_262 = tpu.vector_load %arg8[%swap3A_260, %swap3A_261] {strides = array<i32>} : memref<16x64xf32, #tpu.memory_space<vmem>>, vector<16xf32>,
      tpu.vector_store %arg8[%swap3A_260, %swap3A_261], %gather3A_258 {strides = array<i32>} : memref<16x64xf32, #tpu.memory_space<vmem>>, vector<16xf32>,
      %get3A_263 = arith.constant 16 : index
      %get3A_264 = tpu.vector_load %arg5[%get3A_263] {strides = array<i32>} : memref<64xi32, #tpu.memory_space<vmem>>, vector<16xi32>,
      %broadcast_in_dim3A_265 = arith.constant 6 : i32
      %broadcast_in_dim3A_266 = vector.broadcast %broadcast_in_dim3A_265 : i32 to vector<16xi32>
      %gather3A_267 = tpu.vector_load_idx %arg6[%broadcast_in_dim3A_266, %get3A_264] : memref<16x2048xf32, #tpu.memory_space<vmem>>[vector<16xi32>, vector<16xi32>], vector<16xf32>,
      %swap3A_268 = arith.constant 6 : i32
      %swap3A_269 = arith.index_cast %swap3A_268 : i32 to index
      %swap3A_270 = arith.constant 16 : index
      %swap3A_271 = tpu.vector_load %arg8[%swap3A_269, %swap3A_270] {strides = array<i32>} : memref<16x64xf32, #tpu.memory_space<vmem>>, vector<16xf32>,
      tpu.vector_store %arg8[%swap3A_269, %swap3A_270], %gather3A_267 {strides = array<i32>} : memref<16x64xf32, #tpu.memory_space<vmem>>, vector<16xf32>,
      %get3A_272 = arith.constant 32 : index
      %get3A_273 = tpu.vector_load %arg5[%get3A_272] {strides = array<i32>} : memref<64xi32, #tpu.memory_space<vmem>>, vector<16xi32>,
      %broadcast_in_dim3A_274 = arith.constant 6 : i32
      %broadcast_in_dim3A_275 = vector.broadcast %broadcast_in_dim3A_274 : i32 to vector<16xi32>
      %gather3A_276 = tpu.vector_load_idx %arg6[%broadcast_in_dim3A_275, %get3A_273] : memref<16x2048xf32, #tpu.memory_space<vmem>>[vector<16xi32>, vector<16xi32>], vector<16xf32>,
      %swap3A_277 = arith.constant 6 : i32
      %swap3A_278 = arith.index_cast %swap3A_277 : i32 to index
      %swap3A_279 = arith.constant 32 : index
      %swap3A_280 = tpu.vector_load %arg8[%swap3A_278, %swap3A_279] {strides = array<i32>} : memref<16x64xf32, #tpu.memory_space<vmem>>, vector<16xf32>,
      tpu.vector_store %arg8[%swap3A_278, %swap3A_279], %gather3A_276 {strides = array<i32>} : memref<16x64xf32, #tpu.memory_space<vmem>>, vector<16xf32>,
      %get3A_281 = arith.constant 48 : index
      %get3A_282 = tpu.vector_load %arg5[%get3A_281] {strides = array<i32>} : memref<64xi32, #tpu.memory_space<vmem>>, vector<16xi32>,
      %broadcast_in_dim3A_283 = arith.constant 6 : i32
      %broadcast_in_dim3A_284 = vector.broadcast %broadcast_in_dim3A_283 : i32 to vector<16xi32>
      %gather3A_285 = tpu.vector_load_idx %arg6[%broadcast_in_dim3A_284, %get3A_282] : memref<16x2048xf32, #tpu.memory_space<vmem>>[vector<16xi32>, vector<16xi32>], vector<16xf32>,
      %swap3A_286 = arith.constant 6 : i32
      %swap3A_287 = arith.index_cast %swap3A_286 : i32 to index
      %swap3A_288 = arith.constant 48 : index
      %swap3A_289 = tpu.vector_load %arg8[%swap3A_287, %swap3A_288] {strides = array<i32>} : memref<16x64xf32, #tpu.memory_space<vmem>>, vector<16xf32>,
      tpu.vector_store %arg8[%swap3A_287, %swap3A_288], %gather3A_285 {strides = array<i32>} : memref<16x64xf32, #tpu.memory_space<vmem>>, vector<16xf32>,
      %get3A_290 = arith.constant 0 : index
      %get3A_291 = tpu.vector_load %arg5[%get3A_290] {strides = array<i32>} : memref<64xi32, #tpu.memory_space<vmem>>, vector<16xi32>,
      %broadcast_in_dim3A_292 = arith.constant 7 : i32
      %broadcast_in_dim3A_293 = vector.broadcast %broadcast_in_dim3A_292 : i32 to vector<16xi32>
      %gather3A_294 = tpu.vector_load_idx %arg6[%broadcast_in_dim3A_293, %get3A_291] : memref<16x2048xf32, #tpu.memory_space<vmem>>[vector<16xi32>, vector<16xi32>], vector<16xf32>,
      %swap3A_295 = arith.constant 7 : i32
      %swap3A_296 = arith.index_cast %swap3A_295 : i32 to index
      %swap3A_297 = arith.constant 0 : index
      %swap3A_298 = tpu.vector_load %arg8[%swap3A_296, %swap3A_297] {strides = array<i32>} : memref<16x64xf32, #tpu.memory_space<vmem>>, vector<16xf32>,
      tpu.vector_store %arg8[%swap3A_296, %swap3A_297], %gather3A_294 {strides = array<i32>} : memref<16x64xf32, #tpu.memory_space<vmem>>, vector<16xf32>,
      %get3A_299 = arith.constant 16 : index
      %get3A_300 = tpu.vector_load %arg5[%get3A_299] {strides = array<i32>} : memref<64xi32, #tpu.memory_space<vmem>>, vector<16xi32>,
      %broadcast_in_dim3A_301 = arith.constant 7 : i32
      %broadcast_in_dim3A_302 = vector.broadcast %broadcast_in_dim3A_301 : i32 to vector<16xi32>
      %gather3A_303 = tpu.vector_load_idx %arg6[%broadcast_in_dim3A_302, %get3A_300] : memref<16x2048xf32, #tpu.memory_space<vmem>>[vector<16xi32>, vector<16xi32>], vector<16xf32>,
      %swap3A_304 = arith.constant 7 : i32
      %swap3A_305 = arith.index_cast %swap3A_304 : i32 to index
      %swap3A_306 = arith.constant 16 : index
      %swap3A_307 = tpu.vector_load %arg8[%swap3A_305, %swap3A_306] {strides = array<i32>} : memref<16x64xf32, #tpu.memory_space<vmem>>, vector<16xf32>,
      tpu.vector_store %arg8[%swap3A_305, %swap3A_306], %gather3A_303 {strides = array<i32>} : memref<16x64xf32, #tpu.memory_space<vmem>>, vector<16xf32>,
      %get3A_308 = arith.constant 32 : index
      %get3A_309 = tpu.vector_load %arg5[%get3A_308] {strides = array<i32>} : memref<64xi32, #tpu.memory_space<vmem>>, vector<16xi32>,
      %broadcast_in_dim3A_310 = arith.constant 7 : i32
      %broadcast_in_dim3A_311 = vector.broadcast %broadcast_in_dim3A_310 : i32 to vector<16xi32>
      %gather3A_312 = tpu.vector_load_idx %arg6[%broadcast_in_dim3A_311, %get3A_309] : memref<16x2048xf32, #tpu.memory_space<vmem>>[vector<16xi32>, vector<16xi32>], vector<16xf32>,
      %swap3A_313 = arith.constant 7 : i32
      %swap3A_314 = arith.index_cast %swap3A_313 : i32 to index
      %swap3A_315 = arith.constant 32 : index
      %swap3A_316 = tpu.vector_load %arg8[%swap3A_314, %swap3A_315] {strides = array<i32>} : memref<16x64xf32, #tpu.memory_space<vmem>>, vector<16xf32>,
      tpu.vector_store %arg8[%swap3A_314, %swap3A_315], %gather3A_312 {strides = array<i32>} : memref<16x64xf32, #tpu.memory_space<vmem>>, vector<16xf32>,
      %get3A_317 = arith.constant 48 : index
      %get3A_318 = tpu.vector_load %arg5[%get3A_317] {strides = array<i32>} : memref<64xi32, #tpu.memory_space<vmem>>, vector<16xi32>,
      %broadcast_in_dim3A_319 = arith.constant 7 : i32
      %broadcast_in_dim3A_320 = vector.broadcast %broadcast_in_dim3A_319 : i32 to vector<16xi32>
      %gather3A_321 = tpu.vector_load_idx %arg6[%broadcast_in_dim3A_320, %get3A_318] : memref<16x2048xf32, #tpu.memory_space<vmem>>[vector<16xi32>, vector<16xi32>], vector<16xf32>,
      %swap3A_322 = arith.constant 7 : i32
      %swap3A_323 = arith.index_cast %swap3A_322 : i32 to index
      %swap3A_324 = arith.constant 48 : index
      %swap3A_325 = tpu.vector_load %arg8[%swap3A_323, %swap3A_324] {strides = array<i32>} : memref<16x64xf32, #tpu.memory_space<vmem>>, vector<16xf32>,
      tpu.vector_store %arg8[%swap3A_323, %swap3A_324], %gather3A_321 {strides = array<i32>} : memref<16x64xf32, #tpu.memory_space<vmem>>, vector<16xf32>,
      %get3A_326 = arith.constant 0 : index
      %get3A_327 = tpu.vector_load %arg5[%get3A_326] {strides = array<i32>} : memref<64xi32, #tpu.memory_space<vmem>>, vector<16xi32>,
      %broadcast_in_dim3A_328 = arith.constant 8 : i32
      %broadcast_in_dim3A_329 = vector.broadcast %broadcast_in_dim3A_328 : i32 to vector<16xi32>
      %gather3A_330 = tpu.vector_load_idx %arg6[%broadcast_in_dim3A_329, %get3A_327] : memref<16x2048xf32, #tpu.memory_space<vmem>>[vector<16xi32>, vector<16xi32>], vector<16xf32>,
      %swap3A_331 = arith.constant 8 : i32
      %swap3A_332 = arith.index_cast %swap3A_331 : i32 to index
      %swap3A_333 = arith.constant 0 : index
      %swap3A_334 = tpu.vector_load %arg8[%swap3A_332, %swap3A_333] {strides = array<i32>} : memref<16x64xf32, #tpu.memory_space<vmem>>, vector<16xf32>,
      tpu.vector_store %arg8[%swap3A_332, %swap3A_333], %gather3A_330 {strides = array<i32>} : memref<16x64xf32, #tpu.memory_space<vmem>>, vector<16xf32>,
      %get3A_335 = arith.constant 16 : index
      %get3A_336 = tpu.vector_load %arg5[%get3A_335] {strides = array<i32>} : memref<64xi32, #tpu.memory_space<vmem>>, vector<16xi32>,
      %broadcast_in_dim3A_337 = arith.constant 8 : i32
      %broadcast_in_dim3A_338 = vector.broadcast %broadcast_in_dim3A_337 : i32 to vector<16xi32>
      %gather3A_339 = tpu.vector_load_idx %arg6[%broadcast_in_dim3A_338, %get3A_336] : memref<16x2048xf32, #tpu.memory_space<vmem>>[vector<16xi32>, vector<16xi32>], vector<16xf32>,
      %swap3A_340 = arith.constant 8 : i32
      %swap3A_341 = arith.index_cast %swap3A_340 : i32 to index
      %swap3A_342 = arith.constant 16 : index
      %swap3A_343 = tpu.vector_load %arg8[%swap3A_341, %swap3A_342] {strides = array<i32>} : memref<16x64xf32, #tpu.memory_space<vmem>>, vector<16xf32>,
      tpu.vector_store %arg8[%swap3A_341, %swap3A_342], %gather3A_339 {strides = array<i32>} : memref<16x64xf32, #tpu.memory_space<vmem>>, vector<16xf32>,
      %get3A_344 = arith.constant 32 : index
      %get3A_345 = tpu.vector_load %arg5[%get3A_344] {strides = array<i32>} : memref<64xi32, #tpu.memory_space<vmem>>, vector<16xi32>,
      %broadcast_in_dim3A_346 = arith.constant 8 : i32
      %broadcast_in_dim3A_347 = vector.broadcast %broadcast_in_dim3A_346 : i32 to vector<16xi32>
      %gather3A_348 = tpu.vector_load_idx %arg6[%broadcast_in_dim3A_347, %get3A_345] : memref<16x2048xf32, #tpu.memory_space<vmem>>[vector<16xi32>, vector<16xi32>], vector<16xf32>,
      %swap3A_349 = arith.constant 8 : i32
      %swap3A_350 = arith.index_cast %swap3A_349 : i32 to index
      %swap3A_351 = arith.constant 32 : index
      %swap3A_352 = tpu.vector_load %arg8[%swap3A_350, %swap3A_351] {strides = array<i32>} : memref<16x64xf32, #tpu.memory_space<vmem>>, vector<16xf32>,
      tpu.vector_store %arg8[%swap3A_350, %swap3A_351], %gather3A_348 {strides = array<i32>} : memref<16x64xf32, #tpu.memory_space<vmem>>, vector<16xf32>,
      %get3A_353 = arith.constant 48 : index
      %get3A_354 = tpu.vector_load %arg5[%get3A_353] {strides = array<i32>} : memref<64xi32, #tpu.memory_space<vmem>>, vector<16xi32>,
      %broadcast_in_dim3A_355 = arith.constant 8 : i32
      %broadcast_in_dim3A_356 = vector.broadcast %broadcast_in_dim3A_355 : i32 to vector<16xi32>
      %gather3A_357 = tpu.vector_load_idx %arg6[%broadcast_in_dim3A_356, %get3A_354] : memref<16x2048xf32, #tpu.memory_space<vmem>>[vector<16xi32>, vector<16xi32>], vector<16xf32>,
      %swap3A_358 = arith.constant 8 : i32
      %swap3A_359 = arith.index_cast %swap3A_358 : i32 to index
      %swap3A_360 = arith.constant 48 : index
      %swap3A_361 = tpu.vector_load %arg8[%swap3A_359, %swap3A_360] {strides = array<i32>} : memref<16x64xf32, #tpu.memory_space<vmem>>, vector<16xf32>,
      tpu.vector_store %arg8[%swap3A_359, %swap3A_360], %gather3A_357 {strides = array<i32>} : memref<16x64xf32, #tpu.memory_space<vmem>>, vector<16xf32>,
      %get3A_362 = arith.constant 0 : index
      %get3A_363 = tpu.vector_load %arg5[%get3A_362] {strides = array<i32>} : memref<64xi32, #tpu.memory_space<vmem>>, vector<16xi32>,
      %broadcast_in_dim3A_364 = arith.constant 9 : i32
      %broadcast_in_dim3A_365 = vector.broadcast %broadcast_in_dim3A_364 : i32 to vector<16xi32>
      %gather3A_366 = tpu.vector_load_idx %arg6[%broadcast_in_dim3A_365, %get3A_363] : memref<16x2048xf32, #tpu.memory_space<vmem>>[vector<16xi32>, vector<16xi32>], vector<16xf32>,
      %swap3A_367 = arith.constant 9 : i32
      %swap3A_368 = arith.index_cast %swap3A_367 : i32 to index
      %swap3A_369 = arith.constant 0 : index
      %swap3A_370 = tpu.vector_load %arg8[%swap3A_368, %swap3A_369] {strides = array<i32>} : memref<16x64xf32, #tpu.memory_space<vmem>>, vector<16xf32>,
      tpu.vector_store %arg8[%swap3A_368, %swap3A_369], %gather3A_366 {strides = array<i32>} : memref<16x64xf32, #tpu.memory_space<vmem>>, vector<16xf32>,
      %get3A_371 = arith.constant 16 : index
      %get3A_372 = tpu.vector_load %arg5[%get3A_371] {strides = array<i32>} : memref<64xi32, #tpu.memory_space<vmem>>, vector<16xi32>,
      %broadcast_in_dim3A_373 = arith.constant 9 : i32
      %broadcast_in_dim3A_374 = vector.broadcast %broadcast_in_dim3A_373 : i32 to vector<16xi32>
      %gather3A_375 = tpu.vector_load_idx %arg6[%broadcast_in_dim3A_374, %get3A_372] : memref<16x2048xf32, #tpu.memory_space<vmem>>[vector<16xi32>, vector<16xi32>], vector<16xf32>,
      %swap3A_376 = arith.constant 9 : i32
      %swap3A_377 = arith.index_cast %swap3A_376 : i32 to index
      %swap3A_378 = arith.constant 16 : index
      %swap3A_379 = tpu.vector_load %arg8[%swap3A_377, %swap3A_378] {strides = array<i32>} : memref<16x64xf32, #tpu.memory_space<vmem>>, vector<16xf32>,
      tpu.vector_store %arg8[%swap3A_377, %swap3A_378], %gather3A_375 {strides = array<i32>} : memref<16x64xf32, #tpu.memory_space<vmem>>, vector<16xf32>,
      %get3A_380 = arith.constant 32 : index
      %get3A_381 = tpu.vector_load %arg5[%get3A_380] {strides = array<i32>} : memref<64xi32, #tpu.memory_space<vmem>>, vector<16xi32>,
      %broadcast_in_dim3A_382 = arith.constant 9 : i32
      %broadcast_in_dim3A_383 = vector.broadcast %broadcast_in_dim3A_382 : i32 to vector<16xi32>
      %gather3A_384 = tpu.vector_load_idx %arg6[%broadcast_in_dim3A_383, %get3A_381] : memref<16x2048xf32, #tpu.memory_space<vmem>>[vector<16xi32>, vector<16xi32>], vector<16xf32>,
      %swap3A_385 = arith.constant 9 : i32
      %swap3A_386 = arith.index_cast %swap3A_385 : i32 to index
      %swap3A_387 = arith.constant 32 : index
      %swap3A_388 = tpu.vector_load %arg8[%swap3A_386, %swap3A_387] {strides = array<i32>} : memref<16x64xf32, #tpu.memory_space<vmem>>, vector<16xf32>,
      tpu.vector_store %arg8[%swap3A_386, %swap3A_387], %gather3A_384 {strides = array<i32>} : memref<16x64xf32, #tpu.memory_space<vmem>>, vector<16xf32>,
      %get3A_389 = arith.constant 48 : index
      %get3A_390 = tpu.vector_load %arg5[%get3A_389] {strides = array<i32>} : memref<64xi32, #tpu.memory_space<vmem>>, vector<16xi32>,
      %broadcast_in_dim3A_391 = arith.constant 9 : i32
      %broadcast_in_dim3A_392 = vector.broadcast %broadcast_in_dim3A_391 : i32 to vector<16xi32>
      %gather3A_393 = tpu.vector_load_idx %arg6[%broadcast_in_dim3A_392, %get3A_390] : memref<16x2048xf32, #tpu.memory_space<vmem>>[vector<16xi32>, vector<16xi32>], vector<16xf32>,
      %swap3A_394 = arith.constant 9 : i32
      %swap3A_395 = arith.index_cast %swap3A_394 : i32 to index
      %swap3A_396 = arith.constant 48 : index
      %swap3A_397 = tpu.vector_load %arg8[%swap3A_395, %swap3A_396] {strides = array<i32>} : memref<16x64xf32, #tpu.memory_space<vmem>>, vector<16xf32>,
      tpu.vector_store %arg8[%swap3A_395, %swap3A_396], %gather3A_393 {strides = array<i32>} : memref<16x64xf32, #tpu.memory_space<vmem>>, vector<16xf32>,
      %get3A_398 = arith.constant 0 : index
      %get3A_399 = tpu.vector_load %arg5[%get3A_398] {strides = array<i32>} : memref<64xi32, #tpu.memory_space<vmem>>, vector<16xi32>,
      %broadcast_in_dim3A_400 = arith.constant 10 : i32
      %broadcast_in_dim3A_401 = vector.broadcast %broadcast_in_dim3A_400 : i32 to vector<16xi32>
      %gather3A_402 = tpu.vector_load_idx %arg6[%broadcast_in_dim3A_401, %get3A_399] : memref<16x2048xf32, #tpu.memory_space<vmem>>[vector<16xi32>, vector<16xi32>], vector<16xf32>,
      %swap3A_403 = arith.constant 10 : i32
      %swap3A_404 = arith.index_cast %swap3A_403 : i32 to index
      %swap3A_405 = arith.constant 0 : index
      %swap3A_406 = tpu.vector_load %arg8[%swap3A_404, %swap3A_405] {strides = array<i32>} : memref<16x64xf32, #tpu.memory_space<vmem>>, vector<16xf32>,
      tpu.vector_store %arg8[%swap3A_404, %swap3A_405], %gather3A_402 {strides = array<i32>} : memref<16x64xf32, #tpu.memory_space<vmem>>, vector<16xf32>,
      %get3A_407 = arith.constant 16 : index
      %get3A_408 = tpu.vector_load %arg5[%get3A_407] {strides = array<i32>} : memref<64xi32, #tpu.memory_space<vmem>>, vector<16xi32>,
      %broadcast_in_dim3A_409 = arith.constant 10 : i32
      %broadcast_in_dim3A_410 = vector.broadcast %broadcast_in_dim3A_409 : i32 to vector<16xi32>
      %gather3A_411 = tpu.vector_load_idx %arg6[%broadcast_in_dim3A_410, %get3A_408] : memref<16x2048xf32, #tpu.memory_space<vmem>>[vector<16xi32>, vector<16xi32>], vector<16xf32>,
      %swap3A_412 = arith.constant 10 : i32
      %swap3A_413 = arith.index_cast %swap3A_412 : i32 to index
      %swap3A_414 = arith.constant 16 : index
      %swap3A_415 = tpu.vector_load %arg8[%swap3A_413, %swap3A_414] {strides = array<i32>} : memref<16x64xf32, #tpu.memory_space<vmem>>, vector<16xf32>,
      tpu.vector_store %arg8[%swap3A_413, %swap3A_414], %gather3A_411 {strides = array<i32>} : memref<16x64xf32, #tpu.memory_space<vmem>>, vector<16xf32>,
      %get3A_416 = arith.constant 32 : index
      %get3A_417 = tpu.vector_load %arg5[%get3A_416] {strides = array<i32>} : memref<64xi32, #tpu.memory_space<vmem>>, vector<16xi32>,
      %broadcast_in_dim3A_418 = arith.constant 10 : i32
      %broadcast_in_dim3A_419 = vector.broadcast %broadcast_in_dim3A_418 : i32 to vector<16xi32>
      %gather3A_420 = tpu.vector_load_idx %arg6[%broadcast_in_dim3A_419, %get3A_417] : memref<16x2048xf32, #tpu.memory_space<vmem>>[vector<16xi32>, vector<16xi32>], vector<16xf32>,
      %swap3A_421 = arith.constant 10 : i32
      %swap3A_422 = arith.index_cast %swap3A_421 : i32 to index
      %swap3A_423 = arith.constant 32 : index
      %swap3A_424 = tpu.vector_load %arg8[%swap3A_422, %swap3A_423] {strides = array<i32>} : memref<16x64xf32, #tpu.memory_space<vmem>>, vector<16xf32>,
      tpu.vector_store %arg8[%swap3A_422, %swap3A_423], %gather3A_420 {strides = array<i32>} : memref<16x64xf32, #tpu.memory_space<vmem>>, vector<16xf32>,
      %get3A_425 = arith.constant 48 : index
      %get3A_426 = tpu.vector_load %arg5[%get3A_425] {strides = array<i32>} : memref<64xi32, #tpu.memory_space<vmem>>, vector<16xi32>,
      %broadcast_in_dim3A_427 = arith.constant 10 : i32
      %broadcast_in_dim3A_428 = vector.broadcast %broadcast_in_dim3A_427 : i32 to vector<16xi32>
      %gather3A_429 = tpu.vector_load_idx %arg6[%broadcast_in_dim3A_428, %get3A_426] : memref<16x2048xf32, #tpu.memory_space<vmem>>[vector<16xi32>, vector<16xi32>], vector<16xf32>,
      %swap3A_430 = arith.constant 10 : i32
      %swap3A_431 = arith.index_cast %swap3A_430 : i32 to index
      %swap3A_432 = arith.constant 48 : index
      %swap3A_433 = tpu.vector_load %arg8[%swap3A_431, %swap3A_432] {strides = array<i32>} : memref<16x64xf32, #tpu.memory_space<vmem>>, vector<16xf32>,
      tpu.vector_store %arg8[%swap3A_431, %swap3A_432], %gather3A_429 {strides = array<i32>} : memref<16x64xf32, #tpu.memory_space<vmem>>, vector<16xf32>,
      %get3A_434 = arith.constant 0 : index
      %get3A_435 = tpu.vector_load %arg5[%get3A_434] {strides = array<i32>} : memref<64xi32, #tpu.memory_space<vmem>>, vector<16xi32>,
      %broadcast_in_dim3A_436 = arith.constant 11 : i32
      %broadcast_in_dim3A_437 = vector.broadcast %broadcast_in_dim3A_436 : i32 to vector<16xi32>
      %gather3A_438 = tpu.vector_load_idx %arg6[%broadcast_in_dim3A_437, %get3A_435] : memref<16x2048xf32, #tpu.memory_space<vmem>>[vector<16xi32>, vector<16xi32>], vector<16xf32>,
      %swap3A_439 = arith.constant 11 : i32
      %swap3A_440 = arith.index_cast %swap3A_439 : i32 to index
      %swap3A_441 = arith.constant 0 : index
      %swap3A_442 = tpu.vector_load %arg8[%swap3A_440, %swap3A_441] {strides = array<i32>} : memref<16x64xf32, #tpu.memory_space<vmem>>, vector<16xf32>,
      tpu.vector_store %arg8[%swap3A_440, %swap3A_441], %gather3A_438 {strides = array<i32>} : memref<16x64xf32, #tpu.memory_space<vmem>>, vector<16xf32>,
      %get3A_443 = arith.constant 16 : index
      %get3A_444 = tpu.vector_load %arg5[%get3A_443] {strides = array<i32>} : memref<64xi32, #tpu.memory_space<vmem>>, vector<16xi32>,
      %broadcast_in_dim3A_445 = arith.constant 11 : i32
      %broadcast_in_dim3A_446 = vector.broadcast %broadcast_in_dim3A_445 : i32 to vector<16xi32>
      %gather3A_447 = tpu.vector_load_idx %arg6[%broadcast_in_dim3A_446, %get3A_444] : memref<16x2048xf32, #tpu.memory_space<vmem>>[vector<16xi32>, vector<16xi32>], vector<16xf32>,
      %swap3A_448 = arith.constant 11 : i32
      %swap3A_449 = arith.index_cast %swap3A_448 : i32 to index
      %swap3A_450 = arith.constant 16 : index
      %swap3A_451 = tpu.vector_load %arg8[%swap3A_449, %swap3A_450] {strides = array<i32>} : memref<16x64xf32, #tpu.memory_space<vmem>>, vector<16xf32>,
      tpu.vector_store %arg8[%swap3A_449, %swap3A_450], %gather3A_447 {strides = array<i32>} : memref<16x64xf32, #tpu.memory_space<vmem>>, vector<16xf32>,
      %get3A_452 = arith.constant 32 : index
      %get3A_453 = tpu.vector_load %arg5[%get3A_452] {strides = array<i32>} : memref<64xi32, #tpu.memory_space<vmem>>, vector<16xi32>,
      %broadcast_in_dim3A_454 = arith.constant 11 : i32
      %broadcast_in_dim3A_455 = vector.broadcast %broadcast_in_dim3A_454 : i32 to vector<16xi32>
      %gather3A_456 = tpu.vector_load_idx %arg6[%broadcast_in_dim3A_455, %get3A_453] : memref<16x2048xf32, #tpu.memory_space<vmem>>[vector<16xi32>, vector<16xi32>], vector<16xf32>,
      %swap3A_457 = arith.constant 11 : i32
      %swap3A_458 = arith.index_cast %swap3A_457 : i32 to index
      %swap3A_459 = arith.constant 32 : index
      %swap3A_460 = tpu.vector_load %arg8[%swap3A_458, %swap3A_459] {strides = array<i32>} : memref<16x64xf32, #tpu.memory_space<vmem>>, vector<16xf32>,
      tpu.vector_store %arg8[%swap3A_458, %swap3A_459], %gather3A_456 {strides = array<i32>} : memref<16x64xf32, #tpu.memory_space<vmem>>, vector<16xf32>,
      %get3A_461 = arith.constant 48 : index
      %get3A_462 = tpu.vector_load %arg5[%get3A_461] {strides = array<i32>} : memref<64xi32, #tpu.memory_space<vmem>>, vector<16xi32>,
      %broadcast_in_dim3A_463 = arith.constant 11 : i32
      %broadcast_in_dim3A_464 = vector.broadcast %broadcast_in_dim3A_463 : i32 to vector<16xi32>
      %gather3A_465 = tpu.vector_load_idx %arg6[%broadcast_in_dim3A_464, %get3A_462] : memref<16x2048xf32, #tpu.memory_space<vmem>>[vector<16xi32>, vector<16xi32>], vector<16xf32>,
      %swap3A_466 = arith.constant 11 : i32
      %swap3A_467 = arith.index_cast %swap3A_466 : i32 to index
      %swap3A_468 = arith.constant 48 : index
      %swap3A_469 = tpu.vector_load %arg8[%swap3A_467, %swap3A_468] {strides = array<i32>} : memref<16x64xf32, #tpu.memory_space<vmem>>, vector<16xf32>,
      tpu.vector_store %arg8[%swap3A_467, %swap3A_468], %gather3A_465 {strides = array<i32>} : memref<16x64xf32, #tpu.memory_space<vmem>>, vector<16xf32>,
      %get3A_470 = arith.constant 0 : index
      %get3A_471 = tpu.vector_load %arg5[%get3A_470] {strides = array<i32>} : memref<64xi32, #tpu.memory_space<vmem>>, vector<16xi32>,
      %broadcast_in_dim3A_472 = arith.constant 12 : i32
      %broadcast_in_dim3A_473 = vector.broadcast %broadcast_in_dim3A_472 : i32 to vector<16xi32>
      %gather3A_474 = tpu.vector_load_idx %arg6[%broadcast_in_dim3A_473, %get3A_471] : memref<16x2048xf32, #tpu.memory_space<vmem>>[vector<16xi32>, vector<16xi32>], vector<16xf32>,
      %swap3A_475 = arith.constant 12 : i32
      %swap3A_476 = arith.index_cast %swap3A_475 : i32 to index
      %swap3A_477 = arith.constant 0 : index
      %swap3A_478 = tpu.vector_load %arg8[%swap3A_476, %swap3A_477] {strides = array<i32>} : memref<16x64xf32, #tpu.memory_space<vmem>>, vector<16xf32>,
      tpu.vector_store %arg8[%swap3A_476, %swap3A_477], %gather3A_474 {strides = array<i32>} : memref<16x64xf32, #tpu.memory_space<vmem>>, vector<16xf32>,
      %get3A_479 = arith.constant 16 : index
      %get3A_480 = tpu.vector_load %arg5[%get3A_479] {strides = array<i32>} : memref<64xi32, #tpu.memory_space<vmem>>, vector<16xi32>,
      %broadcast_in_dim3A_481 = arith.constant 12 : i32
      %broadcast_in_dim3A_482 = vector.broadcast %broadcast_in_dim3A_481 : i32 to vector<16xi32>
      %gather3A_483 = tpu.vector_load_idx %arg6[%broadcast_in_dim3A_482, %get3A_480] : memref<16x2048xf32, #tpu.memory_space<vmem>>[vector<16xi32>, vector<16xi32>], vector<16xf32>,
      %swap3A_484 = arith.constant 12 : i32
      %swap3A_485 = arith.index_cast %swap3A_484 : i32 to index
      %swap3A_486 = arith.constant 16 : index
      %swap3A_487 = tpu.vector_load %arg8[%swap3A_485, %swap3A_486] {strides = array<i32>} : memref<16x64xf32, #tpu.memory_space<vmem>>, vector<16xf32>,
      tpu.vector_store %arg8[%swap3A_485, %swap3A_486], %gather3A_483 {strides = array<i32>} : memref<16x64xf32, #tpu.memory_space<vmem>>, vector<16xf32>,
      %get3A_488 = arith.constant 32 : index
      %get3A_489 = tpu.vector_load %arg5[%get3A_488] {strides = array<i32>} : memref<64xi32, #tpu.memory_space<vmem>>, vector<16xi32>,
      %broadcast_in_dim3A_490 = arith.constant 12 : i32
      %broadcast_in_dim3A_491 = vector.broadcast %broadcast_in_dim3A_490 : i32 to vector<16xi32>
      %gather3A_492 = tpu.vector_load_idx %arg6[%broadcast_in_dim3A_491, %get3A_489] : memref<16x2048xf32, #tpu.memory_space<vmem>>[vector<16xi32>, vector<16xi32>], vector<16xf32>,
      %swap3A_493 = arith.constant 12 : i32
      %swap3A_494 = arith.index_cast %swap3A_493 : i32 to index
      %swap3A_495 = arith.constant 32 : index
      %swap3A_496 = tpu.vector_load %arg8[%swap3A_494, %swap3A_495] {strides = array<i32>} : memref<16x64xf32, #tpu.memory_space<vmem>>, vector<16xf32>,
      tpu.vector_store %arg8[%swap3A_494, %swap3A_495], %gather3A_492 {strides = array<i32>} : memref<16x64xf32, #tpu.memory_space<vmem>>, vector<16xf32>,
      %get3A_497 = arith.constant 48 : index
      %get3A_498 = tpu.vector_load %arg5[%get3A_497] {strides = array<i32>} : memref<64xi32, #tpu.memory_space<vmem>>, vector<16xi32>,
      %broadcast_in_dim3A_499 = arith.constant 12 : i32
      %broadcast_in_dim3A_500 = vector.broadcast %broadcast_in_dim3A_499 : i32 to vector<16xi32>
      %gather3A_501 = tpu.vector_load_idx %arg6[%broadcast_in_dim3A_500, %get3A_498] : memref<16x2048xf32, #tpu.memory_space<vmem>>[vector<16xi32>, vector<16xi32>], vector<16xf32>,
      %swap3A_502 = arith.constant 12 : i32
      %swap3A_503 = arith.index_cast %swap3A_502 : i32 to index
      %swap3A_504 = arith.constant 48 : index
      %swap3A_505 = tpu.vector_load %arg8[%swap3A_503, %swap3A_504] {strides = array<i32>} : memref<16x64xf32, #tpu.memory_space<vmem>>, vector<16xf32>,
      tpu.vector_store %arg8[%swap3A_503, %swap3A_504], %gather3A_501 {strides = array<i32>} : memref<16x64xf32, #tpu.memory_space<vmem>>, vector<16xf32>,
      %get3A_506 = arith.constant 0 : index
      %get3A_507 = tpu.vector_load %arg5[%get3A_506] {strides = array<i32>} : memref<64xi32, #tpu.memory_space<vmem>>, vector<16xi32>,
      %broadcast_in_dim3A_508 = arith.constant 13 : i32
      %broadcast_in_dim3A_509 = vector.broadcast %broadcast_in_dim3A_508 : i32 to vector<16xi32>
      %gather3A_510 = tpu.vector_load_idx %arg6[%broadcast_in_dim3A_509, %get3A_507] : memref<16x2048xf32, #tpu.memory_space<vmem>>[vector<16xi32>, vector<16xi32>], vector<16xf32>,
      %swap3A_511 = arith.constant 13 : i32
      %swap3A_512 = arith.index_cast %swap3A_511 : i32 to index
      %swap3A_513 = arith.constant 0 : index
      %swap3A_514 = tpu.vector_load %arg8[%swap3A_512, %swap3A_513] {strides = array<i32>} : memref<16x64xf32, #tpu.memory_space<vmem>>, vector<16xf32>,
      tpu.vector_store %arg8[%swap3A_512, %swap3A_513], %gather3A_510 {strides = array<i32>} : memref<16x64xf32, #tpu.memory_space<vmem>>, vector<16xf32>,
      %get3A_515 = arith.constant 16 : index
      %get3A_516 = tpu.vector_load %arg5[%get3A_515] {strides = array<i32>} : memref<64xi32, #tpu.memory_space<vmem>>, vector<16xi32>,
      %broadcast_in_dim3A_517 = arith.constant 13 : i32
      %broadcast_in_dim3A_518 = vector.broadcast %broadcast_in_dim3A_517 : i32 to vector<16xi32>
      %gather3A_519 = tpu.vector_load_idx %arg6[%broadcast_in_dim3A_518, %get3A_516] : memref<16x2048xf32, #tpu.memory_space<vmem>>[vector<16xi32>, vector<16xi32>], vector<16xf32>,
      %swap3A_520 = arith.constant 13 : i32
      %swap3A_521 = arith.index_cast %swap3A_520 : i32 to index
      %swap3A_522 = arith.constant 16 : index
      %swap3A_523 = tpu.vector_load %arg8[%swap3A_521, %swap3A_522] {strides = array<i32>} : memref<16x64xf32, #tpu.memory_space<vmem>>, vector<16xf32>,
      tpu.vector_store %arg8[%swap3A_521, %swap3A_522], %gather3A_519 {strides = array<i32>} : memref<16x64xf32, #tpu.memory_space<vmem>>, vector<16xf32>,
      %get3A_524 = arith.constant 32 : index
      %get3A_525 = tpu.vector_load %arg5[%get3A_524] {strides = array<i32>} : memref<64xi32, #tpu.memory_space<vmem>>, vector<16xi32>,
      %broadcast_in_dim3A_526 = arith.constant 13 : i32
      %broadcast_in_dim3A_527 = vector.broadcast %broadcast_in_dim3A_526 : i32 to vector<16xi32>
      %gather3A_528 = tpu.vector_load_idx %arg6[%broadcast_in_dim3A_527, %get3A_525] : memref<16x2048xf32, #tpu.memory_space<vmem>>[vector<16xi32>, vector<16xi32>], vector<16xf32>,
      %swap3A_529 = arith.constant 13 : i32
      %swap3A_530 = arith.index_cast %swap3A_529 : i32 to index
      %swap3A_531 = arith.constant 32 : index
      %swap3A_532 = tpu.vector_load %arg8[%swap3A_530, %swap3A_531] {strides = array<i32>} : memref<16x64xf32, #tpu.memory_space<vmem>>, vector<16xf32>,
      tpu.vector_store %arg8[%swap3A_530, %swap3A_531], %gather3A_528 {strides = array<i32>} : memref<16x64xf32, #tpu.memory_space<vmem>>, vector<16xf32>,
      %get3A_533 = arith.constant 48 : index
      %get3A_534 = tpu.vector_load %arg5[%get3A_533] {strides = array<i32>} : memref<64xi32, #tpu.memory_space<vmem>>, vector<16xi32>,
      %broadcast_in_dim3A_535 = arith.constant 13 : i32
      %broadcast_in_dim3A_536 = vector.broadcast %broadcast_in_dim3A_535 : i32 to vector<16xi32>
      %gather3A_537 = tpu.vector_load_idx %arg6[%broadcast_in_dim3A_536, %get3A_534] : memref<16x2048xf32, #tpu.memory_space<vmem>>[vector<16xi32>, vector<16xi32>], vector<16xf32>,
      %swap3A_538 = arith.constant 13 : i32
      %swap3A_539 = arith.index_cast %swap3A_538 : i32 to index
      %swap3A_540 = arith.constant 48 : index
      %swap3A_541 = tpu.vector_load %arg8[%swap3A_539, %swap3A_540] {strides = array<i32>} : memref<16x64xf32, #tpu.memory_space<vmem>>, vector<16xf32>,
      tpu.vector_store %arg8[%swap3A_539, %swap3A_540], %gather3A_537 {strides = array<i32>} : memref<16x64xf32, #tpu.memory_space<vmem>>, vector<16xf32>,
      %get3A_542 = arith.constant 0 : index
      %get3A_543 = tpu.vector_load %arg5[%get3A_542] {strides = array<i32>} : memref<64xi32, #tpu.memory_space<vmem>>, vector<16xi32>,
      %broadcast_in_dim3A_544 = arith.constant 14 : i32
      %broadcast_in_dim3A_545 = vector.broadcast %broadcast_in_dim3A_544 : i32 to vector<16xi32>
      %gather3A_546 = tpu.vector_load_idx %arg6[%broadcast_in_dim3A_545, %get3A_543] : memref<16x2048xf32, #tpu.memory_space<vmem>>[vector<16xi32>, vector<16xi32>], vector<16xf32>,
      %swap3A_547 = arith.constant 14 : i32
      %swap3A_548 = arith.index_cast %swap3A_547 : i32 to index
      %swap3A_549 = arith.constant 0 : index
      %swap3A_550 = tpu.vector_load %arg8[%swap3A_548, %swap3A_549] {strides = array<i32>} : memref<16x64xf32, #tpu.memory_space<vmem>>, vector<16xf32>,
      tpu.vector_store %arg8[%swap3A_548, %swap3A_549], %gather3A_546 {strides = array<i32>} : memref<16x64xf32, #tpu.memory_space<vmem>>, vector<16xf32>,
      %get3A_551 = arith.constant 16 : index
      %get3A_552 = tpu.vector_load %arg5[%get3A_551] {strides = array<i32>} : memref<64xi32, #tpu.memory_space<vmem>>, vector<16xi32>,
      %broadcast_in_dim3A_553 = arith.constant 14 : i32
      %broadcast_in_dim3A_554 = vector.broadcast %broadcast_in_dim3A_553 : i32 to vector<16xi32>
      %gather3A_555 = tpu.vector_load_idx %arg6[%broadcast_in_dim3A_554, %get3A_552] : memref<16x2048xf32, #tpu.memory_space<vmem>>[vector<16xi32>, vector<16xi32>], vector<16xf32>,
      %swap3A_556 = arith.constant 14 : i32
      %swap3A_557 = arith.index_cast %swap3A_556 : i32 to index
      %swap3A_558 = arith.constant 16 : index
      %swap3A_559 = tpu.vector_load %arg8[%swap3A_557, %swap3A_558] {strides = array<i32>} : memref<16x64xf32, #tpu.memory_space<vmem>>, vector<16xf32>,
      tpu.vector_store %arg8[%swap3A_557, %swap3A_558], %gather3A_555 {strides = array<i32>} : memref<16x64xf32, #tpu.memory_space<vmem>>, vector<16xf32>,
      %get3A_560 = arith.constant 32 : index
      %get3A_561 = tpu.vector_load %arg5[%get3A_560] {strides = array<i32>} : memref<64xi32, #tpu.memory_space<vmem>>, vector<16xi32>,
      %broadcast_in_dim3A_562 = arith.constant 14 : i32
      %broadcast_in_dim3A_563 = vector.broadcast %broadcast_in_dim3A_562 : i32 to vector<16xi32>
      %gather3A_564 = tpu.vector_load_idx %arg6[%broadcast_in_dim3A_563, %get3A_561] : memref<16x2048xf32, #tpu.memory_space<vmem>>[vector<16xi32>, vector<16xi32>], vector<16xf32>,
      %swap3A_565 = arith.constant 14 : i32
      %swap3A_566 = arith.index_cast %swap3A_565 : i32 to index
      %swap3A_567 = arith.constant 32 : index
      %swap3A_568 = tpu.vector_load %arg8[%swap3A_566, %swap3A_567] {strides = array<i32>} : memref<16x64xf32, #tpu.memory_space<vmem>>, vector<16xf32>,
      tpu.vector_store %arg8[%swap3A_566, %swap3A_567], %gather3A_564 {strides = array<i32>} : memref<16x64xf32, #tpu.memory_space<vmem>>, vector<16xf32>,
      %get3A_569 = arith.constant 48 : index
      %get3A_570 = tpu.vector_load %arg5[%get3A_569] {strides = array<i32>} : memref<64xi32, #tpu.memory_space<vmem>>, vector<16xi32>,
      %broadcast_in_dim3A_571 = arith.constant 14 : i32
      %broadcast_in_dim3A_572 = vector.broadcast %broadcast_in_dim3A_571 : i32 to vector<16xi32>
      %gather3A_573 = tpu.vector_load_idx %arg6[%broadcast_in_dim3A_572, %get3A_570] : memref<16x2048xf32, #tpu.memory_space<vmem>>[vector<16xi32>, vector<16xi32>], vector<16xf32>,
      %swap3A_574 = arith.constant 14 : i32
      %swap3A_575 = arith.index_cast %swap3A_574 : i32 to index
      %swap3A_576 = arith.constant 48 : index
      %swap3A_577 = tpu.vector_load %arg8[%swap3A_575, %swap3A_576] {strides = array<i32>} : memref<16x64xf32, #tpu.memory_space<vmem>>, vector<16xf32>,
      tpu.vector_store %arg8[%swap3A_575, %swap3A_576], %gather3A_573 {strides = array<i32>} : memref<16x64xf32, #tpu.memory_space<vmem>>, vector<16xf32>,
      %get3A_578 = arith.constant 0 : index
      %get3A_579 = tpu.vector_load %arg5[%get3A_578] {strides = array<i32>} : memref<64xi32, #tpu.memory_space<vmem>>, vector<16xi32>,
      %broadcast_in_dim3A_580 = arith.constant 15 : i32
      %broadcast_in_dim3A_581 = vector.broadcast %broadcast_in_dim3A_580 : i32 to vector<16xi32>
      %gather3A_582 = tpu.vector_load_idx %arg6[%broadcast_in_dim3A_581, %get3A_579] : memref<16x2048xf32, #tpu.memory_space<vmem>>[vector<16xi32>, vector<16xi32>], vector<16xf32>,
      %swap3A_583 = arith.constant 15 : i32
      %swap3A_584 = arith.index_cast %swap3A_583 : i32 to index
      %swap3A_585 = arith.constant 0 : index
      %swap3A_586 = tpu.vector_load %arg8[%swap3A_584, %swap3A_585] {strides = array<i32>} : memref<16x64xf32, #tpu.memory_space<vmem>>, vector<16xf32>,
      tpu.vector_store %arg8[%swap3A_584, %swap3A_585], %gather3A_582 {strides = array<i32>} : memref<16x64xf32, #tpu.memory_space<vmem>>, vector<16xf32>,
      %get3A_587 = arith.constant 16 : index
      %get3A_588 = tpu.vector_load %arg5[%get3A_587] {strides = array<i32>} : memref<64xi32, #tpu.memory_space<vmem>>, vector<16xi32>,
      %broadcast_in_dim3A_589 = arith.constant 15 : i32
      %broadcast_in_dim3A_590 = vector.broadcast %broadcast_in_dim3A_589 : i32 to vector<16xi32>
      %gather3A_591 = tpu.vector_load_idx %arg6[%broadcast_in_dim3A_590, %get3A_588] : memref<16x2048xf32, #tpu.memory_space<vmem>>[vector<16xi32>, vector<16xi32>], vector<16xf32>,
      %swap3A_592 = arith.constant 15 : i32
      %swap3A_593 = arith.index_cast %swap3A_592 : i32 to index
      %swap3A_594 = arith.constant 16 : index
      %swap3A_595 = tpu.vector_load %arg8[%swap3A_593, %swap3A_594] {strides = array<i32>} : memref<16x64xf32, #tpu.memory_space<vmem>>, vector<16xf32>,
      tpu.vector_store %arg8[%swap3A_593, %swap3A_594], %gather3A_591 {strides = array<i32>} : memref<16x64xf32, #tpu.memory_space<vmem>>, vector<16xf32>,
      %get3A_596 = arith.constant 32 : index
      %get3A_597 = tpu.vector_load %arg5[%get3A_596] {strides = array<i32>} : memref<64xi32, #tpu.memory_space<vmem>>, vector<16xi32>,
      %broadcast_in_dim3A_598 = arith.constant 15 : i32
      %broadcast_in_dim3A_599 = vector.broadcast %broadcast_in_dim3A_598 : i32 to vector<16xi32>
      %gather3A_600 = tpu.vector_load_idx %arg6[%broadcast_in_dim3A_599, %get3A_597] : memref<16x2048xf32, #tpu.memory_space<vmem>>[vector<16xi32>, vector<16xi32>], vector<16xf32>,
      %swap3A_601 = arith.constant 15 : i32
      %swap3A_602 = arith.index_cast %swap3A_601 : i32 to index
      %swap3A_603 = arith.constant 32 : index
      %swap3A_604 = tpu.vector_load %arg8[%swap3A_602, %swap3A_603] {strides = array<i32>} : memref<16x64xf32, #tpu.memory_space<vmem>>, vector<16xf32>,
      tpu.vector_store %arg8[%swap3A_602, %swap3A_603], %gather3A_600 {strides = array<i32>} : memref<16x64xf32, #tpu.memory_space<vmem>>, vector<16xf32>,
      %get3A_605 = arith.constant 48 : index
      %get3A_606 = tpu.vector_load %arg5[%get3A_605] {strides = array<i32>} : memref<64xi32, #tpu.memory_space<vmem>>, vector<16xi32>,
      %broadcast_in_dim3A_607 = arith.constant 15 : i32
      %broadcast_in_dim3A_608 = vector.broadcast %broadcast_in_dim3A_607 : i32 to vector<16xi32>
      %gather3A_609 = tpu.vector_load_idx %arg6[%broadcast_in_dim3A_608, %get3A_606] : memref<16x2048xf32, #tpu.memory_space<vmem>>[vector<16xi32>, vector<16xi32>], vector<16xf32>,
      %swap3A_610 = arith.constant 15 : i32
      %swap3A_611 = arith.index_cast %swap3A_610 : i32 to index
      %swap3A_612 = arith.constant 48 : index
      %swap3A_613 = tpu.vector_load %arg8[%swap3A_611, %swap3A_612] {strides = array<i32>} : memref<16x64xf32, #tpu.memory_space<vmem>>, vector<16xf32>,
      tpu.vector_store %arg8[%swap3A_611, %swap3A_612], %gather3A_609 {strides = array<i32>} : memref<16x64xf32, #tpu.memory_space<vmem>>, vector<16xf32>,
      %mul3A_614 = arith.constant 16 : i32
      %mul3A_615 = arith.muli %mul3A_32, %mul3A_614 : i32
      %add3A_616 = arith.addi %mul3A_2, %mul3A_615 : i32
      %dma_start3A_617 = arith.constant 0 : i32
      %dma_start3A_618 = tpu.memref_slice %arg4[%add3A_616, %dma_start3A_617] : memref<16384x64xf32, #tpu.memory_space<hbm>> -> memref<16x64xf32, #tpu.memory_space<hbm>>
      %dma_start3A_619 = arith.constant 0 : i32
      %dma_start3A_620 = tpu.memref_slice %arg4[%add3A_616, %dma_start3A_619] : memref<16384x64xf32, #tpu.memory_space<hbm>> -> memref<16x64xf32, #tpu.memory_space<hbm>>
      tpu.enqueue_dma source(%arg8 : memref<16x64xf32, #tpu.memory_space<vmem>>) target(%dma_start3A_620 : memref<16x64xf32, #tpu.memory_space<hbm>>) target_semaphore(%arg12 : memref<!tpu.dma_semaphore, #tpu.memory_space<semaphore_mem>>)
      %add3A_621 = arith.constant 2 : i32
      %add3A_622 = arith.addi %mul3A_32, %add3A_621 : i32
      %lt3A = arith.constant 32 : i32
      %lt3A_623 = arith.cmpi slt, %add3A_622, %lt3A : i32
      %convert_element_type3A_624 = arith.extui %lt3A_623 : i1 to i32
      %cond3A_625 = arith.constant 0 : i32
      %cond3A_626 = arith.cmpi ne, %convert_element_type3A_624, %cond3A_625 : i32
      scf.if %cond3A_626 {
        %add3A_1233 = arith.constant 2 : i32
        %add3A_1234 = arith.addi %mul3A_32, %add3A_1233 : i32
        %mul3A_1235 = arith.constant 16 : i32
        %mul3A_1236 = arith.muli %add3A_1234, %mul3A_1235 : i32
        %add3A_1237 = arith.addi %mul3A_2, %mul3A_1236 : i32
        %dma_start3A_1238 = arith.constant 0 : i32
        %dma_start3A_1239 = tpu.memref_slice %arg2[%add3A_1237, %dma_start3A_1238] : memref<16384x2048xf32, #tpu.memory_space<hbm>> -> memref<16x2048xf32, #tpu.memory_space<hbm>>
        %dma_start3A_1240 = arith.constant 0 : i32
        %dma_start3A_1241 = tpu.memref_slice %arg2[%add3A_1237, %dma_start3A_1240] : memref<16384x2048xf32, #tpu.memory_space<hbm>> -> memref<16x2048xf32, #tpu.memory_space<hbm>>
        tpu.enqueue_dma source(%dma_start3A_1241 : memref<16x2048xf32, #tpu.memory_space<hbm>>) target(%arg6 : memref<16x2048xf32, #tpu.memory_space<vmem>>) target_semaphore(%arg10 : memref<!tpu.dma_semaphore, #tpu.memory_space<semaphore_mem>>)
      } else {
      }
      %mul3A_627 = arith.constant 2 : i32
      %mul3A_628 = arith.muli %mul3A_627, %scan3A_30 : i32
      %add3A_629 = arith.constant 1 : i32
      %add3A_630 = arith.addi %mul3A_628, %add3A_629 : i32
      %mul3A_631 = arith.constant 16 : i32
      %mul3A_632 = arith.muli %add3A_630, %mul3A_631 : i32
      %add3A_633 = arith.addi %mul3A_2, %mul3A_632 : i32
      %dma_wait3A_634 = arith.constant 0 : i32
      %dma_wait3A_635 = tpu.memref_slice %arg2[%add3A_633, %dma_wait3A_634] : memref<16384x2048xf32, #tpu.memory_space<hbm>> -> memref<16x2048xf32, #tpu.memory_space<hbm>>
      %dma_wait3A_636 = arith.constant 0 : i32
      %dma_wait3A_637 = tpu.memref_slice %arg2[%add3A_633, %dma_wait3A_636] : memref<16384x2048xf32, #tpu.memory_space<hbm>> -> memref<16x2048xf32, #tpu.memory_space<hbm>>
      tpu.wait_dma2 semaphore(%arg11 : memref<!tpu.dma_semaphore, #tpu.memory_space<semaphore_mem>>) src(%dma_wait3A_637 : memref<16x2048xf32, #tpu.memory_space<hbm>>) dst(%arg7 : memref<16x2048xf32, #tpu.memory_space<vmem>>)
      %ge3A_638 = arith.constant 2 : i32
      %ge3A_639 = arith.cmpi sge, %add3A_630, %ge3A_638 : i32
      %convert_element_type3A_640 = arith.extui %ge3A_639 : i1 to i32
      %cond3A_641 = arith.constant 0 : i32
      %cond3A_642 = arith.cmpi ne, %convert_element_type3A_640, %cond3A_641 : i32
      scf.if %cond3A_642 {
        %sub3A = arith.constant 2 : i32
        %sub3A_1233 = arith.subi %add3A_630, %sub3A : i32
        %mul3A_1234 = arith.constant 16 : i32
        %mul3A_1235 = arith.muli %sub3A_1233, %mul3A_1234 : i32
        %add3A_1236 = arith.addi %mul3A_2, %mul3A_1235 : i32
        %dma_wait3A_1237 = arith.constant 0 : i32
        %dma_wait3A_1238 = tpu.memref_slice %arg4[%add3A_1236, %dma_wait3A_1237] : memref<16384x64xf32, #tpu.memory_space<hbm>> -> memref<16x64xf32, #tpu.memory_space<hbm>>
        %dma_wait3A_1239 = arith.constant 0 : i32
        %dma_wait3A_1240 = tpu.memref_slice %arg4[%add3A_1236, %dma_wait3A_1239] : memref<16384x64xf32, #tpu.memory_space<hbm>> -> memref<16x64xf32, #tpu.memory_space<hbm>>
        tpu.wait_dma2 semaphore(%arg13 : memref<!tpu.dma_semaphore, #tpu.memory_space<semaphore_mem>>) src(%arg9 : memref<16x64xf32, #tpu.memory_space<vmem>>) dst(%dma_wait3A_1240 : memref<16x64xf32, #tpu.memory_space<hbm>>)
      } else {
      }
      %get3A_643 = arith.constant 0 : index
      %get3A_644 = tpu.vector_load %arg5[%get3A_643] {strides = array<i32>} : memref<64xi32, #tpu.memory_space<vmem>>, vector<16xi32>,
      %broadcast_in_dim3A_645 = arith.constant 0 : i32
      %broadcast_in_dim3A_646 = vector.broadcast %broadcast_in_dim3A_645 : i32 to vector<16xi32>
      %gather3A_647 = tpu.vector_load_idx %arg7[%broadcast_in_dim3A_646, %get3A_644] : memref<16x2048xf32, #tpu.memory_space<vmem>>[vector<16xi32>, vector<16xi32>], vector<16xf32>,
      %swap3A_648 = arith.constant 0 : i32
      %swap3A_649 = arith.index_cast %swap3A_648 : i32 to index
      %swap3A_650 = arith.constant 0 : index
      %swap3A_651 = tpu.vector_load %arg9[%swap3A_649, %swap3A_650] {strides = array<i32>} : memref<16x64xf32, #tpu.memory_space<vmem>>, vector<16xf32>,
      tpu.vector_store %arg9[%swap3A_649, %swap3A_650], %gather3A_647 {strides = array<i32>} : memref<16x64xf32, #tpu.memory_space<vmem>>, vector<16xf32>,
      %get3A_652 = arith.constant 16 : index
      %get3A_653 = tpu.vector_load %arg5[%get3A_652] {strides = array<i32>} : memref<64xi32, #tpu.memory_space<vmem>>, vector<16xi32>,
      %broadcast_in_dim3A_654 = arith.constant 0 : i32
      %broadcast_in_dim3A_655 = vector.broadcast %broadcast_in_dim3A_654 : i32 to vector<16xi32>
      %gather3A_656 = tpu.vector_load_idx %arg7[%broadcast_in_dim3A_655, %get3A_653] : memref<16x2048xf32, #tpu.memory_space<vmem>>[vector<16xi32>, vector<16xi32>], vector<16xf32>,
      %swap3A_657 = arith.constant 0 : i32
      %swap3A_658 = arith.index_cast %swap3A_657 : i32 to index
      %swap3A_659 = arith.constant 16 : index
      %swap3A_660 = tpu.vector_load %arg9[%swap3A_658, %swap3A_659] {strides = array<i32>} : memref<16x64xf32, #tpu.memory_space<vmem>>, vector<16xf32>,
      tpu.vector_store %arg9[%swap3A_658, %swap3A_659], %gather3A_656 {strides = array<i32>} : memref<16x64xf32, #tpu.memory_space<vmem>>, vector<16xf32>,
      %get3A_661 = arith.constant 32 : index
      %get3A_662 = tpu.vector_load %arg5[%get3A_661] {strides = array<i32>} : memref<64xi32, #tpu.memory_space<vmem>>, vector<16xi32>,
      %broadcast_in_dim3A_663 = arith.constant 0 : i32
      %broadcast_in_dim3A_664 = vector.broadcast %broadcast_in_dim3A_663 : i32 to vector<16xi32>
      %gather3A_665 = tpu.vector_load_idx %arg7[%broadcast_in_dim3A_664, %get3A_662] : memref<16x2048xf32, #tpu.memory_space<vmem>>[vector<16xi32>, vector<16xi32>], vector<16xf32>,
      %swap3A_666 = arith.constant 0 : i32
      %swap3A_667 = arith.index_cast %swap3A_666 : i32 to index
      %swap3A_668 = arith.constant 32 : index
      %swap3A_669 = tpu.vector_load %arg9[%swap3A_667, %swap3A_668] {strides = array<i32>} : memref<16x64xf32, #tpu.memory_space<vmem>>, vector<16xf32>,
      tpu.vector_store %arg9[%swap3A_667, %swap3A_668], %gather3A_665 {strides = array<i32>} : memref<16x64xf32, #tpu.memory_space<vmem>>, vector<16xf32>,
      %get3A_670 = arith.constant 48 : index
      %get3A_671 = tpu.vector_load %arg5[%get3A_670] {strides = array<i32>} : memref<64xi32, #tpu.memory_space<vmem>>, vector<16xi32>,
      %broadcast_in_dim3A_672 = arith.constant 0 : i32
      %broadcast_in_dim3A_673 = vector.broadcast %broadcast_in_dim3A_672 : i32 to vector<16xi32>
      %gather3A_674 = tpu.vector_load_idx %arg7[%broadcast_in_dim3A_673, %get3A_671] : memref<16x2048xf32, #tpu.memory_space<vmem>>[vector<16xi32>, vector<16xi32>], vector<16xf32>,
      %swap3A_675 = arith.constant 0 : i32
      %swap3A_676 = arith.index_cast %swap3A_675 : i32 to index
      %swap3A_677 = arith.constant 48 : index
      %swap3A_678 = tpu.vector_load %arg9[%swap3A_676, %swap3A_677] {strides = array<i32>} : memref<16x64xf32, #tpu.memory_space<vmem>>, vector<16xf32>,
      tpu.vector_store %arg9[%swap3A_676, %swap3A_677], %gather3A_674 {strides = array<i32>} : memref<16x64xf32, #tpu.memory_space<vmem>>, vector<16xf32>,
      %get3A_679 = arith.constant 0 : index
      %get3A_680 = tpu.vector_load %arg5[%get3A_679] {strides = array<i32>} : memref<64xi32, #tpu.memory_space<vmem>>, vector<16xi32>,
      %broadcast_in_dim3A_681 = arith.constant 1 : i32
      %broadcast_in_dim3A_682 = vector.broadcast %broadcast_in_dim3A_681 : i32 to vector<16xi32>
      %gather3A_683 = tpu.vector_load_idx %arg7[%broadcast_in_dim3A_682, %get3A_680] : memref<16x2048xf32, #tpu.memory_space<vmem>>[vector<16xi32>, vector<16xi32>], vector<16xf32>,
      %swap3A_684 = arith.constant 1 : i32
      %swap3A_685 = arith.index_cast %swap3A_684 : i32 to index
      %swap3A_686 = arith.constant 0 : index
      %swap3A_687 = tpu.vector_load %arg9[%swap3A_685, %swap3A_686] {strides = array<i32>} : memref<16x64xf32, #tpu.memory_space<vmem>>, vector<16xf32>,
      tpu.vector_store %arg9[%swap3A_685, %swap3A_686], %gather3A_683 {strides = array<i32>} : memref<16x64xf32, #tpu.memory_space<vmem>>, vector<16xf32>,
      %get3A_688 = arith.constant 16 : index
      %get3A_689 = tpu.vector_load %arg5[%get3A_688] {strides = array<i32>} : memref<64xi32, #tpu.memory_space<vmem>>, vector<16xi32>,
      %broadcast_in_dim3A_690 = arith.constant 1 : i32
      %broadcast_in_dim3A_691 = vector.broadcast %broadcast_in_dim3A_690 : i32 to vector<16xi32>
      %gather3A_692 = tpu.vector_load_idx %arg7[%broadcast_in_dim3A_691, %get3A_689] : memref<16x2048xf32, #tpu.memory_space<vmem>>[vector<16xi32>, vector<16xi32>], vector<16xf32>,
      %swap3A_693 = arith.constant 1 : i32
      %swap3A_694 = arith.index_cast %swap3A_693 : i32 to index
      %swap3A_695 = arith.constant 16 : index
      %swap3A_696 = tpu.vector_load %arg9[%swap3A_694, %swap3A_695] {strides = array<i32>} : memref<16x64xf32, #tpu.memory_space<vmem>>, vector<16xf32>,
      tpu.vector_store %arg9[%swap3A_694, %swap3A_695], %gather3A_692 {strides = array<i32>} : memref<16x64xf32, #tpu.memory_space<vmem>>, vector<16xf32>,
      %get3A_697 = arith.constant 32 : index
      %get3A_698 = tpu.vector_load %arg5[%get3A_697] {strides = array<i32>} : memref<64xi32, #tpu.memory_space<vmem>>, vector<16xi32>,
      %broadcast_in_dim3A_699 = arith.constant 1 : i32
      %broadcast_in_dim3A_700 = vector.broadcast %broadcast_in_dim3A_699 : i32 to vector<16xi32>
      %gather3A_701 = tpu.vector_load_idx %arg7[%broadcast_in_dim3A_700, %get3A_698] : memref<16x2048xf32, #tpu.memory_space<vmem>>[vector<16xi32>, vector<16xi32>], vector<16xf32>,
      %swap3A_702 = arith.constant 1 : i32
      %swap3A_703 = arith.index_cast %swap3A_702 : i32 to index
      %swap3A_704 = arith.constant 32 : index
      %swap3A_705 = tpu.vector_load %arg9[%swap3A_703, %swap3A_704] {strides = array<i32>} : memref<16x64xf32, #tpu.memory_space<vmem>>, vector<16xf32>,
      tpu.vector_store %arg9[%swap3A_703, %swap3A_704], %gather3A_701 {strides = array<i32>} : memref<16x64xf32, #tpu.memory_space<vmem>>, vector<16xf32>,
      %get3A_706 = arith.constant 48 : index
      %get3A_707 = tpu.vector_load %arg5[%get3A_706] {strides = array<i32>} : memref<64xi32, #tpu.memory_space<vmem>>, vector<16xi32>,
      %broadcast_in_dim3A_708 = arith.constant 1 : i32
      %broadcast_in_dim3A_709 = vector.broadcast %broadcast_in_dim3A_708 : i32 to vector<16xi32>
      %gather3A_710 = tpu.vector_load_idx %arg7[%broadcast_in_dim3A_709, %get3A_707] : memref<16x2048xf32, #tpu.memory_space<vmem>>[vector<16xi32>, vector<16xi32>], vector<16xf32>,
      %swap3A_711 = arith.constant 1 : i32
      %swap3A_712 = arith.index_cast %swap3A_711 : i32 to index
      %swap3A_713 = arith.constant 48 : index
      %swap3A_714 = tpu.vector_load %arg9[%swap3A_712, %swap3A_713] {strides = array<i32>} : memref<16x64xf32, #tpu.memory_space<vmem>>, vector<16xf32>,
      tpu.vector_store %arg9[%swap3A_712, %swap3A_713], %gather3A_710 {strides = array<i32>} : memref<16x64xf32, #tpu.memory_space<vmem>>, vector<16xf32>,
      %get3A_715 = arith.constant 0 : index
      %get3A_716 = tpu.vector_load %arg5[%get3A_715] {strides = array<i32>} : memref<64xi32, #tpu.memory_space<vmem>>, vector<16xi32>,
      %broadcast_in_dim3A_717 = arith.constant 2 : i32
      %broadcast_in_dim3A_718 = vector.broadcast %broadcast_in_dim3A_717 : i32 to vector<16xi32>
      %gather3A_719 = tpu.vector_load_idx %arg7[%broadcast_in_dim3A_718, %get3A_716] : memref<16x2048xf32, #tpu.memory_space<vmem>>[vector<16xi32>, vector<16xi32>], vector<16xf32>,
      %swap3A_720 = arith.constant 2 : i32
      %swap3A_721 = arith.index_cast %swap3A_720 : i32 to index
      %swap3A_722 = arith.constant 0 : index
      %swap3A_723 = tpu.vector_load %arg9[%swap3A_721, %swap3A_722] {strides = array<i32>} : memref<16x64xf32, #tpu.memory_space<vmem>>, vector<16xf32>,
      tpu.vector_store %arg9[%swap3A_721, %swap3A_722], %gather3A_719 {strides = array<i32>} : memref<16x64xf32, #tpu.memory_space<vmem>>, vector<16xf32>,
      %get3A_724 = arith.constant 16 : index
      %get3A_725 = tpu.vector_load %arg5[%get3A_724] {strides = array<i32>} : memref<64xi32, #tpu.memory_space<vmem>>, vector<16xi32>,
      %broadcast_in_dim3A_726 = arith.constant 2 : i32
      %broadcast_in_dim3A_727 = vector.broadcast %broadcast_in_dim3A_726 : i32 to vector<16xi32>
      %gather3A_728 = tpu.vector_load_idx %arg7[%broadcast_in_dim3A_727, %get3A_725] : memref<16x2048xf32, #tpu.memory_space<vmem>>[vector<16xi32>, vector<16xi32>], vector<16xf32>,
      %swap3A_729 = arith.constant 2 : i32
      %swap3A_730 = arith.index_cast %swap3A_729 : i32 to index
      %swap3A_731 = arith.constant 16 : index
      %swap3A_732 = tpu.vector_load %arg9[%swap3A_730, %swap3A_731] {strides = array<i32>} : memref<16x64xf32, #tpu.memory_space<vmem>>, vector<16xf32>,
      tpu.vector_store %arg9[%swap3A_730, %swap3A_731], %gather3A_728 {strides = array<i32>} : memref<16x64xf32, #tpu.memory_space<vmem>>, vector<16xf32>,
      %get3A_733 = arith.constant 32 : index
      %get3A_734 = tpu.vector_load %arg5[%get3A_733] {strides = array<i32>} : memref<64xi32, #tpu.memory_space<vmem>>, vector<16xi32>,
      %broadcast_in_dim3A_735 = arith.constant 2 : i32
      %broadcast_in_dim3A_736 = vector.broadcast %broadcast_in_dim3A_735 : i32 to vector<16xi32>
      %gather3A_737 = tpu.vector_load_idx %arg7[%broadcast_in_dim3A_736, %get3A_734] : memref<16x2048xf32, #tpu.memory_space<vmem>>[vector<16xi32>, vector<16xi32>], vector<16xf32>,
      %swap3A_738 = arith.constant 2 : i32
      %swap3A_739 = arith.index_cast %swap3A_738 : i32 to index
      %swap3A_740 = arith.constant 32 : index
      %swap3A_741 = tpu.vector_load %arg9[%swap3A_739, %swap3A_740] {strides = array<i32>} : memref<16x64xf32, #tpu.memory_space<vmem>>, vector<16xf32>,
      tpu.vector_store %arg9[%swap3A_739, %swap3A_740], %gather3A_737 {strides = array<i32>} : memref<16x64xf32, #tpu.memory_space<vmem>>, vector<16xf32>,
      %get3A_742 = arith.constant 48 : index
      %get3A_743 = tpu.vector_load %arg5[%get3A_742] {strides = array<i32>} : memref<64xi32, #tpu.memory_space<vmem>>, vector<16xi32>,
      %broadcast_in_dim3A_744 = arith.constant 2 : i32
      %broadcast_in_dim3A_745 = vector.broadcast %broadcast_in_dim3A_744 : i32 to vector<16xi32>
      %gather3A_746 = tpu.vector_load_idx %arg7[%broadcast_in_dim3A_745, %get3A_743] : memref<16x2048xf32, #tpu.memory_space<vmem>>[vector<16xi32>, vector<16xi32>], vector<16xf32>,
      %swap3A_747 = arith.constant 2 : i32
      %swap3A_748 = arith.index_cast %swap3A_747 : i32 to index
      %swap3A_749 = arith.constant 48 : index
      %swap3A_750 = tpu.vector_load %arg9[%swap3A_748, %swap3A_749] {strides = array<i32>} : memref<16x64xf32, #tpu.memory_space<vmem>>, vector<16xf32>,
      tpu.vector_store %arg9[%swap3A_748, %swap3A_749], %gather3A_746 {strides = array<i32>} : memref<16x64xf32, #tpu.memory_space<vmem>>, vector<16xf32>,
      %get3A_751 = arith.constant 0 : index
      %get3A_752 = tpu.vector_load %arg5[%get3A_751] {strides = array<i32>} : memref<64xi32, #tpu.memory_space<vmem>>, vector<16xi32>,
      %broadcast_in_dim3A_753 = arith.constant 3 : i32
      %broadcast_in_dim3A_754 = vector.broadcast %broadcast_in_dim3A_753 : i32 to vector<16xi32>
      %gather3A_755 = tpu.vector_load_idx %arg7[%broadcast_in_dim3A_754, %get3A_752] : memref<16x2048xf32, #tpu.memory_space<vmem>>[vector<16xi32>, vector<16xi32>], vector<16xf32>,
      %swap3A_756 = arith.constant 3 : i32
      %swap3A_757 = arith.index_cast %swap3A_756 : i32 to index
      %swap3A_758 = arith.constant 0 : index
      %swap3A_759 = tpu.vector_load %arg9[%swap3A_757, %swap3A_758] {strides = array<i32>} : memref<16x64xf32, #tpu.memory_space<vmem>>, vector<16xf32>,
      tpu.vector_store %arg9[%swap3A_757, %swap3A_758], %gather3A_755 {strides = array<i32>} : memref<16x64xf32, #tpu.memory_space<vmem>>, vector<16xf32>,
      %get3A_760 = arith.constant 16 : index
      %get3A_761 = tpu.vector_load %arg5[%get3A_760] {strides = array<i32>} : memref<64xi32, #tpu.memory_space<vmem>>, vector<16xi32>,
      %broadcast_in_dim3A_762 = arith.constant 3 : i32
      %broadcast_in_dim3A_763 = vector.broadcast %broadcast_in_dim3A_762 : i32 to vector<16xi32>
      %gather3A_764 = tpu.vector_load_idx %arg7[%broadcast_in_dim3A_763, %get3A_761] : memref<16x2048xf32, #tpu.memory_space<vmem>>[vector<16xi32>, vector<16xi32>], vector<16xf32>,
      %swap3A_765 = arith.constant 3 : i32
      %swap3A_766 = arith.index_cast %swap3A_765 : i32 to index
      %swap3A_767 = arith.constant 16 : index
      %swap3A_768 = tpu.vector_load %arg9[%swap3A_766, %swap3A_767] {strides = array<i32>} : memref<16x64xf32, #tpu.memory_space<vmem>>, vector<16xf32>,
      tpu.vector_store %arg9[%swap3A_766, %swap3A_767], %gather3A_764 {strides = array<i32>} : memref<16x64xf32, #tpu.memory_space<vmem>>, vector<16xf32>,
      %get3A_769 = arith.constant 32 : index
      %get3A_770 = tpu.vector_load %arg5[%get3A_769] {strides = array<i32>} : memref<64xi32, #tpu.memory_space<vmem>>, vector<16xi32>,
      %broadcast_in_dim3A_771 = arith.constant 3 : i32
      %broadcast_in_dim3A_772 = vector.broadcast %broadcast_in_dim3A_771 : i32 to vector<16xi32>
      %gather3A_773 = tpu.vector_load_idx %arg7[%broadcast_in_dim3A_772, %get3A_770] : memref<16x2048xf32, #tpu.memory_space<vmem>>[vector<16xi32>, vector<16xi32>], vector<16xf32>,
      %swap3A_774 = arith.constant 3 : i32
      %swap3A_775 = arith.index_cast %swap3A_774 : i32 to index
      %swap3A_776 = arith.constant 32 : index
      %swap3A_777 = tpu.vector_load %arg9[%swap3A_775, %swap3A_776] {strides = array<i32>} : memref<16x64xf32, #tpu.memory_space<vmem>>, vector<16xf32>,
      tpu.vector_store %arg9[%swap3A_775, %swap3A_776], %gather3A_773 {strides = array<i32>} : memref<16x64xf32, #tpu.memory_space<vmem>>, vector<16xf32>,
      %get3A_778 = arith.constant 48 : index
      %get3A_779 = tpu.vector_load %arg5[%get3A_778] {strides = array<i32>} : memref<64xi32, #tpu.memory_space<vmem>>, vector<16xi32>,
      %broadcast_in_dim3A_780 = arith.constant 3 : i32
      %broadcast_in_dim3A_781 = vector.broadcast %broadcast_in_dim3A_780 : i32 to vector<16xi32>
      %gather3A_782 = tpu.vector_load_idx %arg7[%broadcast_in_dim3A_781, %get3A_779] : memref<16x2048xf32, #tpu.memory_space<vmem>>[vector<16xi32>, vector<16xi32>], vector<16xf32>,
      %swap3A_783 = arith.constant 3 : i32
      %swap3A_784 = arith.index_cast %swap3A_783 : i32 to index
      %swap3A_785 = arith.constant 48 : index
      %swap3A_786 = tpu.vector_load %arg9[%swap3A_784, %swap3A_785] {strides = array<i32>} : memref<16x64xf32, #tpu.memory_space<vmem>>, vector<16xf32>,
      tpu.vector_store %arg9[%swap3A_784, %swap3A_785], %gather3A_782 {strides = array<i32>} : memref<16x64xf32, #tpu.memory_space<vmem>>, vector<16xf32>,
      %get3A_787 = arith.constant 0 : index
      %get3A_788 = tpu.vector_load %arg5[%get3A_787] {strides = array<i32>} : memref<64xi32, #tpu.memory_space<vmem>>, vector<16xi32>,
      %broadcast_in_dim3A_789 = arith.constant 4 : i32
      %broadcast_in_dim3A_790 = vector.broadcast %broadcast_in_dim3A_789 : i32 to vector<16xi32>
      %gather3A_791 = tpu.vector_load_idx %arg7[%broadcast_in_dim3A_790, %get3A_788] : memref<16x2048xf32, #tpu.memory_space<vmem>>[vector<16xi32>, vector<16xi32>], vector<16xf32>,
      %swap3A_792 = arith.constant 4 : i32
      %swap3A_793 = arith.index_cast %swap3A_792 : i32 to index
      %swap3A_794 = arith.constant 0 : index
      %swap3A_795 = tpu.vector_load %arg9[%swap3A_793, %swap3A_794] {strides = array<i32>} : memref<16x64xf32, #tpu.memory_space<vmem>>, vector<16xf32>,
      tpu.vector_store %arg9[%swap3A_793, %swap3A_794], %gather3A_791 {strides = array<i32>} : memref<16x64xf32, #tpu.memory_space<vmem>>, vector<16xf32>,
      %get3A_796 = arith.constant 16 : index
      %get3A_797 = tpu.vector_load %arg5[%get3A_796] {strides = array<i32>} : memref<64xi32, #tpu.memory_space<vmem>>, vector<16xi32>,
      %broadcast_in_dim3A_798 = arith.constant 4 : i32
      %broadcast_in_dim3A_799 = vector.broadcast %broadcast_in_dim3A_798 : i32 to vector<16xi32>
      %gather3A_800 = tpu.vector_load_idx %arg7[%broadcast_in_dim3A_799, %get3A_797] : memref<16x2048xf32, #tpu.memory_space<vmem>>[vector<16xi32>, vector<16xi32>], vector<16xf32>,
      %swap3A_801 = arith.constant 4 : i32
      %swap3A_802 = arith.index_cast %swap3A_801 : i32 to index
      %swap3A_803 = arith.constant 16 : index
      %swap3A_804 = tpu.vector_load %arg9[%swap3A_802, %swap3A_803] {strides = array<i32>} : memref<16x64xf32, #tpu.memory_space<vmem>>, vector<16xf32>,
      tpu.vector_store %arg9[%swap3A_802, %swap3A_803], %gather3A_800 {strides = array<i32>} : memref<16x64xf32, #tpu.memory_space<vmem>>, vector<16xf32>,
      %get3A_805 = arith.constant 32 : index
      %get3A_806 = tpu.vector_load %arg5[%get3A_805] {strides = array<i32>} : memref<64xi32, #tpu.memory_space<vmem>>, vector<16xi32>,
      %broadcast_in_dim3A_807 = arith.constant 4 : i32
      %broadcast_in_dim3A_808 = vector.broadcast %broadcast_in_dim3A_807 : i32 to vector<16xi32>
      %gather3A_809 = tpu.vector_load_idx %arg7[%broadcast_in_dim3A_808, %get3A_806] : memref<16x2048xf32, #tpu.memory_space<vmem>>[vector<16xi32>, vector<16xi32>], vector<16xf32>,
      %swap3A_810 = arith.constant 4 : i32
      %swap3A_811 = arith.index_cast %swap3A_810 : i32 to index
      %swap3A_812 = arith.constant 32 : index
      %swap3A_813 = tpu.vector_load %arg9[%swap3A_811, %swap3A_812] {strides = array<i32>} : memref<16x64xf32, #tpu.memory_space<vmem>>, vector<16xf32>,
      tpu.vector_store %arg9[%swap3A_811, %swap3A_812], %gather3A_809 {strides = array<i32>} : memref<16x64xf32, #tpu.memory_space<vmem>>, vector<16xf32>,
      %get3A_814 = arith.constant 48 : index
      %get3A_815 = tpu.vector_load %arg5[%get3A_814] {strides = array<i32>} : memref<64xi32, #tpu.memory_space<vmem>>, vector<16xi32>,
      %broadcast_in_dim3A_816 = arith.constant 4 : i32
      %broadcast_in_dim3A_817 = vector.broadcast %broadcast_in_dim3A_816 : i32 to vector<16xi32>
      %gather3A_818 = tpu.vector_load_idx %arg7[%broadcast_in_dim3A_817, %get3A_815] : memref<16x2048xf32, #tpu.memory_space<vmem>>[vector<16xi32>, vector<16xi32>], vector<16xf32>,
      %swap3A_819 = arith.constant 4 : i32
      %swap3A_820 = arith.index_cast %swap3A_819 : i32 to index
      %swap3A_821 = arith.constant 48 : index
      %swap3A_822 = tpu.vector_load %arg9[%swap3A_820, %swap3A_821] {strides = array<i32>} : memref<16x64xf32, #tpu.memory_space<vmem>>, vector<16xf32>,
      tpu.vector_store %arg9[%swap3A_820, %swap3A_821], %gather3A_818 {strides = array<i32>} : memref<16x64xf32, #tpu.memory_space<vmem>>, vector<16xf32>,
      %get3A_823 = arith.constant 0 : index
      %get3A_824 = tpu.vector_load %arg5[%get3A_823] {strides = array<i32>} : memref<64xi32, #tpu.memory_space<vmem>>, vector<16xi32>,
      %broadcast_in_dim3A_825 = arith.constant 5 : i32
      %broadcast_in_dim3A_826 = vector.broadcast %broadcast_in_dim3A_825 : i32 to vector<16xi32>
      %gather3A_827 = tpu.vector_load_idx %arg7[%broadcast_in_dim3A_826, %get3A_824] : memref<16x2048xf32, #tpu.memory_space<vmem>>[vector<16xi32>, vector<16xi32>], vector<16xf32>,
      %swap3A_828 = arith.constant 5 : i32
      %swap3A_829 = arith.index_cast %swap3A_828 : i32 to index
      %swap3A_830 = arith.constant 0 : index
      %swap3A_831 = tpu.vector_load %arg9[%swap3A_829, %swap3A_830] {strides = array<i32>} : memref<16x64xf32, #tpu.memory_space<vmem>>, vector<16xf32>,
      tpu.vector_store %arg9[%swap3A_829, %swap3A_830], %gather3A_827 {strides = array<i32>} : memref<16x64xf32, #tpu.memory_space<vmem>>, vector<16xf32>,
      %get3A_832 = arith.constant 16 : index
      %get3A_833 = tpu.vector_load %arg5[%get3A_832] {strides = array<i32>} : memref<64xi32, #tpu.memory_space<vmem>>, vector<16xi32>,
      %broadcast_in_dim3A_834 = arith.constant 5 : i32
      %broadcast_in_dim3A_835 = vector.broadcast %broadcast_in_dim3A_834 : i32 to vector<16xi32>
      %gather3A_836 = tpu.vector_load_idx %arg7[%broadcast_in_dim3A_835, %get3A_833] : memref<16x2048xf32, #tpu.memory_space<vmem>>[vector<16xi32>, vector<16xi32>], vector<16xf32>,
      %swap3A_837 = arith.constant 5 : i32
      %swap3A_838 = arith.index_cast %swap3A_837 : i32 to index
      %swap3A_839 = arith.constant 16 : index
      %swap3A_840 = tpu.vector_load %arg9[%swap3A_838, %swap3A_839] {strides = array<i32>} : memref<16x64xf32, #tpu.memory_space<vmem>>, vector<16xf32>,
      tpu.vector_store %arg9[%swap3A_838, %swap3A_839], %gather3A_836 {strides = array<i32>} : memref<16x64xf32, #tpu.memory_space<vmem>>, vector<16xf32>,
      %get3A_841 = arith.constant 32 : index
      %get3A_842 = tpu.vector_load %arg5[%get3A_841] {strides = array<i32>} : memref<64xi32, #tpu.memory_space<vmem>>, vector<16xi32>,
      %broadcast_in_dim3A_843 = arith.constant 5 : i32
      %broadcast_in_dim3A_844 = vector.broadcast %broadcast_in_dim3A_843 : i32 to vector<16xi32>
      %gather3A_845 = tpu.vector_load_idx %arg7[%broadcast_in_dim3A_844, %get3A_842] : memref<16x2048xf32, #tpu.memory_space<vmem>>[vector<16xi32>, vector<16xi32>], vector<16xf32>,
      %swap3A_846 = arith.constant 5 : i32
      %swap3A_847 = arith.index_cast %swap3A_846 : i32 to index
      %swap3A_848 = arith.constant 32 : index
      %swap3A_849 = tpu.vector_load %arg9[%swap3A_847, %swap3A_848] {strides = array<i32>} : memref<16x64xf32, #tpu.memory_space<vmem>>, vector<16xf32>,
      tpu.vector_store %arg9[%swap3A_847, %swap3A_848], %gather3A_845 {strides = array<i32>} : memref<16x64xf32, #tpu.memory_space<vmem>>, vector<16xf32>,
      %get3A_850 = arith.constant 48 : index
      %get3A_851 = tpu.vector_load %arg5[%get3A_850] {strides = array<i32>} : memref<64xi32, #tpu.memory_space<vmem>>, vector<16xi32>,
      %broadcast_in_dim3A_852 = arith.constant 5 : i32
      %broadcast_in_dim3A_853 = vector.broadcast %broadcast_in_dim3A_852 : i32 to vector<16xi32>
      %gather3A_854 = tpu.vector_load_idx %arg7[%broadcast_in_dim3A_853, %get3A_851] : memref<16x2048xf32, #tpu.memory_space<vmem>>[vector<16xi32>, vector<16xi32>], vector<16xf32>,
      %swap3A_855 = arith.constant 5 : i32
      %swap3A_856 = arith.index_cast %swap3A_855 : i32 to index
      %swap3A_857 = arith.constant 48 : index
      %swap3A_858 = tpu.vector_load %arg9[%swap3A_856, %swap3A_857] {strides = array<i32>} : memref<16x64xf32, #tpu.memory_space<vmem>>, vector<16xf32>,
      tpu.vector_store %arg9[%swap3A_856, %swap3A_857], %gather3A_854 {strides = array<i32>} : memref<16x64xf32, #tpu.memory_space<vmem>>, vector<16xf32>,
      %get3A_859 = arith.constant 0 : index
      %get3A_860 = tpu.vector_load %arg5[%get3A_859] {strides = array<i32>} : memref<64xi32, #tpu.memory_space<vmem>>, vector<16xi32>,
      %broadcast_in_dim3A_861 = arith.constant 6 : i32
      %broadcast_in_dim3A_862 = vector.broadcast %broadcast_in_dim3A_861 : i32 to vector<16xi32>
      %gather3A_863 = tpu.vector_load_idx %arg7[%broadcast_in_dim3A_862, %get3A_860] : memref<16x2048xf32, #tpu.memory_space<vmem>>[vector<16xi32>, vector<16xi32>], vector<16xf32>,
      %swap3A_864 = arith.constant 6 : i32
      %swap3A_865 = arith.index_cast %swap3A_864 : i32 to index
      %swap3A_866 = arith.constant 0 : index
      %swap3A_867 = tpu.vector_load %arg9[%swap3A_865, %swap3A_866] {strides = array<i32>} : memref<16x64xf32, #tpu.memory_space<vmem>>, vector<16xf32>,
      tpu.vector_store %arg9[%swap3A_865, %swap3A_866], %gather3A_863 {strides = array<i32>} : memref<16x64xf32, #tpu.memory_space<vmem>>, vector<16xf32>,
      %get3A_868 = arith.constant 16 : index
      %get3A_869 = tpu.vector_load %arg5[%get3A_868] {strides = array<i32>} : memref<64xi32, #tpu.memory_space<vmem>>, vector<16xi32>,
      %broadcast_in_dim3A_870 = arith.constant 6 : i32
      %broadcast_in_dim3A_871 = vector.broadcast %broadcast_in_dim3A_870 : i32 to vector<16xi32>
      %gather3A_872 = tpu.vector_load_idx %arg7[%broadcast_in_dim3A_871, %get3A_869] : memref<16x2048xf32, #tpu.memory_space<vmem>>[vector<16xi32>, vector<16xi32>], vector<16xf32>,
      %swap3A_873 = arith.constant 6 : i32
      %swap3A_874 = arith.index_cast %swap3A_873 : i32 to index
      %swap3A_875 = arith.constant 16 : index
      %swap3A_876 = tpu.vector_load %arg9[%swap3A_874, %swap3A_875] {strides = array<i32>} : memref<16x64xf32, #tpu.memory_space<vmem>>, vector<16xf32>,
      tpu.vector_store %arg9[%swap3A_874, %swap3A_875], %gather3A_872 {strides = array<i32>} : memref<16x64xf32, #tpu.memory_space<vmem>>, vector<16xf32>,
      %get3A_877 = arith.constant 32 : index
      %get3A_878 = tpu.vector_load %arg5[%get3A_877] {strides = array<i32>} : memref<64xi32, #tpu.memory_space<vmem>>, vector<16xi32>,
      %broadcast_in_dim3A_879 = arith.constant 6 : i32
      %broadcast_in_dim3A_880 = vector.broadcast %broadcast_in_dim3A_879 : i32 to vector<16xi32>
      %gather3A_881 = tpu.vector_load_idx %arg7[%broadcast_in_dim3A_880, %get3A_878] : memref<16x2048xf32, #tpu.memory_space<vmem>>[vector<16xi32>, vector<16xi32>], vector<16xf32>,
      %swap3A_882 = arith.constant 6 : i32
      %swap3A_883 = arith.index_cast %swap3A_882 : i32 to index
      %swap3A_884 = arith.constant 32 : index
      %swap3A_885 = tpu.vector_load %arg9[%swap3A_883, %swap3A_884] {strides = array<i32>} : memref<16x64xf32, #tpu.memory_space<vmem>>, vector<16xf32>,
      tpu.vector_store %arg9[%swap3A_883, %swap3A_884], %gather3A_881 {strides = array<i32>} : memref<16x64xf32, #tpu.memory_space<vmem>>, vector<16xf32>,
      %get3A_886 = arith.constant 48 : index
      %get3A_887 = tpu.vector_load %arg5[%get3A_886] {strides = array<i32>} : memref<64xi32, #tpu.memory_space<vmem>>, vector<16xi32>,
      %broadcast_in_dim3A_888 = arith.constant 6 : i32
      %broadcast_in_dim3A_889 = vector.broadcast %broadcast_in_dim3A_888 : i32 to vector<16xi32>
      %gather3A_890 = tpu.vector_load_idx %arg7[%broadcast_in_dim3A_889, %get3A_887] : memref<16x2048xf32, #tpu.memory_space<vmem>>[vector<16xi32>, vector<16xi32>], vector<16xf32>,
      %swap3A_891 = arith.constant 6 : i32
      %swap3A_892 = arith.index_cast %swap3A_891 : i32 to index
      %swap3A_893 = arith.constant 48 : index
      %swap3A_894 = tpu.vector_load %arg9[%swap3A_892, %swap3A_893] {strides = array<i32>} : memref<16x64xf32, #tpu.memory_space<vmem>>, vector<16xf32>,
      tpu.vector_store %arg9[%swap3A_892, %swap3A_893], %gather3A_890 {strides = array<i32>} : memref<16x64xf32, #tpu.memory_space<vmem>>, vector<16xf32>,
      %get3A_895 = arith.constant 0 : index
      %get3A_896 = tpu.vector_load %arg5[%get3A_895] {strides = array<i32>} : memref<64xi32, #tpu.memory_space<vmem>>, vector<16xi32>,
      %broadcast_in_dim3A_897 = arith.constant 7 : i32
      %broadcast_in_dim3A_898 = vector.broadcast %broadcast_in_dim3A_897 : i32 to vector<16xi32>
      %gather3A_899 = tpu.vector_load_idx %arg7[%broadcast_in_dim3A_898, %get3A_896] : memref<16x2048xf32, #tpu.memory_space<vmem>>[vector<16xi32>, vector<16xi32>], vector<16xf32>,
      %swap3A_900 = arith.constant 7 : i32
      %swap3A_901 = arith.index_cast %swap3A_900 : i32 to index
      %swap3A_902 = arith.constant 0 : index
      %swap3A_903 = tpu.vector_load %arg9[%swap3A_901, %swap3A_902] {strides = array<i32>} : memref<16x64xf32, #tpu.memory_space<vmem>>, vector<16xf32>,
      tpu.vector_store %arg9[%swap3A_901, %swap3A_902], %gather3A_899 {strides = array<i32>} : memref<16x64xf32, #tpu.memory_space<vmem>>, vector<16xf32>,
      %get3A_904 = arith.constant 16 : index
      %get3A_905 = tpu.vector_load %arg5[%get3A_904] {strides = array<i32>} : memref<64xi32, #tpu.memory_space<vmem>>, vector<16xi32>,
      %broadcast_in_dim3A_906 = arith.constant 7 : i32
      %broadcast_in_dim3A_907 = vector.broadcast %broadcast_in_dim3A_906 : i32 to vector<16xi32>
      %gather3A_908 = tpu.vector_load_idx %arg7[%broadcast_in_dim3A_907, %get3A_905] : memref<16x2048xf32, #tpu.memory_space<vmem>>[vector<16xi32>, vector<16xi32>], vector<16xf32>,
      %swap3A_909 = arith.constant 7 : i32
      %swap3A_910 = arith.index_cast %swap3A_909 : i32 to index
      %swap3A_911 = arith.constant 16 : index
      %swap3A_912 = tpu.vector_load %arg9[%swap3A_910, %swap3A_911] {strides = array<i32>} : memref<16x64xf32, #tpu.memory_space<vmem>>, vector<16xf32>,
      tpu.vector_store %arg9[%swap3A_910, %swap3A_911], %gather3A_908 {strides = array<i32>} : memref<16x64xf32, #tpu.memory_space<vmem>>, vector<16xf32>,
      %get3A_913 = arith.constant 32 : index
      %get3A_914 = tpu.vector_load %arg5[%get3A_913] {strides = array<i32>} : memref<64xi32, #tpu.memory_space<vmem>>, vector<16xi32>,
      %broadcast_in_dim3A_915 = arith.constant 7 : i32
      %broadcast_in_dim3A_916 = vector.broadcast %broadcast_in_dim3A_915 : i32 to vector<16xi32>
      %gather3A_917 = tpu.vector_load_idx %arg7[%broadcast_in_dim3A_916, %get3A_914] : memref<16x2048xf32, #tpu.memory_space<vmem>>[vector<16xi32>, vector<16xi32>], vector<16xf32>,
      %swap3A_918 = arith.constant 7 : i32
      %swap3A_919 = arith.index_cast %swap3A_918 : i32 to index
      %swap3A_920 = arith.constant 32 : index
      %swap3A_921 = tpu.vector_load %arg9[%swap3A_919, %swap3A_920] {strides = array<i32>} : memref<16x64xf32, #tpu.memory_space<vmem>>, vector<16xf32>,
      tpu.vector_store %arg9[%swap3A_919, %swap3A_920], %gather3A_917 {strides = array<i32>} : memref<16x64xf32, #tpu.memory_space<vmem>>, vector<16xf32>,
      %get3A_922 = arith.constant 48 : index
      %get3A_923 = tpu.vector_load %arg5[%get3A_922] {strides = array<i32>} : memref<64xi32, #tpu.memory_space<vmem>>, vector<16xi32>,
      %broadcast_in_dim3A_924 = arith.constant 7 : i32
      %broadcast_in_dim3A_925 = vector.broadcast %broadcast_in_dim3A_924 : i32 to vector<16xi32>
      %gather3A_926 = tpu.vector_load_idx %arg7[%broadcast_in_dim3A_925, %get3A_923] : memref<16x2048xf32, #tpu.memory_space<vmem>>[vector<16xi32>, vector<16xi32>], vector<16xf32>,
      %swap3A_927 = arith.constant 7 : i32
      %swap3A_928 = arith.index_cast %swap3A_927 : i32 to index
      %swap3A_929 = arith.constant 48 : index
      %swap3A_930 = tpu.vector_load %arg9[%swap3A_928, %swap3A_929] {strides = array<i32>} : memref<16x64xf32, #tpu.memory_space<vmem>>, vector<16xf32>,
      tpu.vector_store %arg9[%swap3A_928, %swap3A_929], %gather3A_926 {strides = array<i32>} : memref<16x64xf32, #tpu.memory_space<vmem>>, vector<16xf32>,
      %get3A_931 = arith.constant 0 : index
      %get3A_932 = tpu.vector_load %arg5[%get3A_931] {strides = array<i32>} : memref<64xi32, #tpu.memory_space<vmem>>, vector<16xi32>,
      %broadcast_in_dim3A_933 = arith.constant 8 : i32
      %broadcast_in_dim3A_934 = vector.broadcast %broadcast_in_dim3A_933 : i32 to vector<16xi32>
      %gather3A_935 = tpu.vector_load_idx %arg7[%broadcast_in_dim3A_934, %get3A_932] : memref<16x2048xf32, #tpu.memory_space<vmem>>[vector<16xi32>, vector<16xi32>], vector<16xf32>,
      %swap3A_936 = arith.constant 8 : i32
      %swap3A_937 = arith.index_cast %swap3A_936 : i32 to index
      %swap3A_938 = arith.constant 0 : index
      %swap3A_939 = tpu.vector_load %arg9[%swap3A_937, %swap3A_938] {strides = array<i32>} : memref<16x64xf32, #tpu.memory_space<vmem>>, vector<16xf32>,
      tpu.vector_store %arg9[%swap3A_937, %swap3A_938], %gather3A_935 {strides = array<i32>} : memref<16x64xf32, #tpu.memory_space<vmem>>, vector<16xf32>,
      %get3A_940 = arith.constant 16 : index
      %get3A_941 = tpu.vector_load %arg5[%get3A_940] {strides = array<i32>} : memref<64xi32, #tpu.memory_space<vmem>>, vector<16xi32>,
      %broadcast_in_dim3A_942 = arith.constant 8 : i32
      %broadcast_in_dim3A_943 = vector.broadcast %broadcast_in_dim3A_942 : i32 to vector<16xi32>
      %gather3A_944 = tpu.vector_load_idx %arg7[%broadcast_in_dim3A_943, %get3A_941] : memref<16x2048xf32, #tpu.memory_space<vmem>>[vector<16xi32>, vector<16xi32>], vector<16xf32>,
      %swap3A_945 = arith.constant 8 : i32
      %swap3A_946 = arith.index_cast %swap3A_945 : i32 to index
      %swap3A_947 = arith.constant 16 : index
      %swap3A_948 = tpu.vector_load %arg9[%swap3A_946, %swap3A_947] {strides = array<i32>} : memref<16x64xf32, #tpu.memory_space<vmem>>, vector<16xf32>,
      tpu.vector_store %arg9[%swap3A_946, %swap3A_947], %gather3A_944 {strides = array<i32>} : memref<16x64xf32, #tpu.memory_space<vmem>>, vector<16xf32>,
      %get3A_949 = arith.constant 32 : index
      %get3A_950 = tpu.vector_load %arg5[%get3A_949] {strides = array<i32>} : memref<64xi32, #tpu.memory_space<vmem>>, vector<16xi32>,
      %broadcast_in_dim3A_951 = arith.constant 8 : i32
      %broadcast_in_dim3A_952 = vector.broadcast %broadcast_in_dim3A_951 : i32 to vector<16xi32>
      %gather3A_953 = tpu.vector_load_idx %arg7[%broadcast_in_dim3A_952, %get3A_950] : memref<16x2048xf32, #tpu.memory_space<vmem>>[vector<16xi32>, vector<16xi32>], vector<16xf32>,
      %swap3A_954 = arith.constant 8 : i32
      %swap3A_955 = arith.index_cast %swap3A_954 : i32 to index
      %swap3A_956 = arith.constant 32 : index
      %swap3A_957 = tpu.vector_load %arg9[%swap3A_955, %swap3A_956] {strides = array<i32>} : memref<16x64xf32, #tpu.memory_space<vmem>>, vector<16xf32>,
      tpu.vector_store %arg9[%swap3A_955, %swap3A_956], %gather3A_953 {strides = array<i32>} : memref<16x64xf32, #tpu.memory_space<vmem>>, vector<16xf32>,
      %get3A_958 = arith.constant 48 : index
      %get3A_959 = tpu.vector_load %arg5[%get3A_958] {strides = array<i32>} : memref<64xi32, #tpu.memory_space<vmem>>, vector<16xi32>,
      %broadcast_in_dim3A_960 = arith.constant 8 : i32
      %broadcast_in_dim3A_961 = vector.broadcast %broadcast_in_dim3A_960 : i32 to vector<16xi32>
      %gather3A_962 = tpu.vector_load_idx %arg7[%broadcast_in_dim3A_961, %get3A_959] : memref<16x2048xf32, #tpu.memory_space<vmem>>[vector<16xi32>, vector<16xi32>], vector<16xf32>,
      %swap3A_963 = arith.constant 8 : i32
      %swap3A_964 = arith.index_cast %swap3A_963 : i32 to index
      %swap3A_965 = arith.constant 48 : index
      %swap3A_966 = tpu.vector_load %arg9[%swap3A_964, %swap3A_965] {strides = array<i32>} : memref<16x64xf32, #tpu.memory_space<vmem>>, vector<16xf32>,
      tpu.vector_store %arg9[%swap3A_964, %swap3A_965], %gather3A_962 {strides = array<i32>} : memref<16x64xf32, #tpu.memory_space<vmem>>, vector<16xf32>,
      %get3A_967 = arith.constant 0 : index
      %get3A_968 = tpu.vector_load %arg5[%get3A_967] {strides = array<i32>} : memref<64xi32, #tpu.memory_space<vmem>>, vector<16xi32>,
      %broadcast_in_dim3A_969 = arith.constant 9 : i32
      %broadcast_in_dim3A_970 = vector.broadcast %broadcast_in_dim3A_969 : i32 to vector<16xi32>
      %gather3A_971 = tpu.vector_load_idx %arg7[%broadcast_in_dim3A_970, %get3A_968] : memref<16x2048xf32, #tpu.memory_space<vmem>>[vector<16xi32>, vector<16xi32>], vector<16xf32>,
      %swap3A_972 = arith.constant 9 : i32
      %swap3A_973 = arith.index_cast %swap3A_972 : i32 to index
      %swap3A_974 = arith.constant 0 : index
      %swap3A_975 = tpu.vector_load %arg9[%swap3A_973, %swap3A_974] {strides = array<i32>} : memref<16x64xf32, #tpu.memory_space<vmem>>, vector<16xf32>,
      tpu.vector_store %arg9[%swap3A_973, %swap3A_974], %gather3A_971 {strides = array<i32>} : memref<16x64xf32, #tpu.memory_space<vmem>>, vector<16xf32>,
      %get3A_976 = arith.constant 16 : index
      %get3A_977 = tpu.vector_load %arg5[%get3A_976] {strides = array<i32>} : memref<64xi32, #tpu.memory_space<vmem>>, vector<16xi32>,
      %broadcast_in_dim3A_978 = arith.constant 9 : i32
      %broadcast_in_dim3A_979 = vector.broadcast %broadcast_in_dim3A_978 : i32 to vector<16xi32>
      %gather3A_980 = tpu.vector_load_idx %arg7[%broadcast_in_dim3A_979, %get3A_977] : memref<16x2048xf32, #tpu.memory_space<vmem>>[vector<16xi32>, vector<16xi32>], vector<16xf32>,
      %swap3A_981 = arith.constant 9 : i32
      %swap3A_982 = arith.index_cast %swap3A_981 : i32 to index
      %swap3A_983 = arith.constant 16 : index
      %swap3A_984 = tpu.vector_load %arg9[%swap3A_982, %swap3A_983] {strides = array<i32>} : memref<16x64xf32, #tpu.memory_space<vmem>>, vector<16xf32>,
      tpu.vector_store %arg9[%swap3A_982, %swap3A_983], %gather3A_980 {strides = array<i32>} : memref<16x64xf32, #tpu.memory_space<vmem>>, vector<16xf32>,
      %get3A_985 = arith.constant 32 : index
      %get3A_986 = tpu.vector_load %arg5[%get3A_985] {strides = array<i32>} : memref<64xi32, #tpu.memory_space<vmem>>, vector<16xi32>,
      %broadcast_in_dim3A_987 = arith.constant 9 : i32
      %broadcast_in_dim3A_988 = vector.broadcast %broadcast_in_dim3A_987 : i32 to vector<16xi32>
      %gather3A_989 = tpu.vector_load_idx %arg7[%broadcast_in_dim3A_988, %get3A_986] : memref<16x2048xf32, #tpu.memory_space<vmem>>[vector<16xi32>, vector<16xi32>], vector<16xf32>,
      %swap3A_990 = arith.constant 9 : i32
      %swap3A_991 = arith.index_cast %swap3A_990 : i32 to index
      %swap3A_992 = arith.constant 32 : index
      %swap3A_993 = tpu.vector_load %arg9[%swap3A_991, %swap3A_992] {strides = array<i32>} : memref<16x64xf32, #tpu.memory_space<vmem>>, vector<16xf32>,
      tpu.vector_store %arg9[%swap3A_991, %swap3A_992], %gather3A_989 {strides = array<i32>} : memref<16x64xf32, #tpu.memory_space<vmem>>, vector<16xf32>,
      %get3A_994 = arith.constant 48 : index
      %get3A_995 = tpu.vector_load %arg5[%get3A_994] {strides = array<i32>} : memref<64xi32, #tpu.memory_space<vmem>>, vector<16xi32>,
      %broadcast_in_dim3A_996 = arith.constant 9 : i32
      %broadcast_in_dim3A_997 = vector.broadcast %broadcast_in_dim3A_996 : i32 to vector<16xi32>
      %gather3A_998 = tpu.vector_load_idx %arg7[%broadcast_in_dim3A_997, %get3A_995] : memref<16x2048xf32, #tpu.memory_space<vmem>>[vector<16xi32>, vector<16xi32>], vector<16xf32>,
      %swap3A_999 = arith.constant 9 : i32
      %swap3A_1000 = arith.index_cast %swap3A_999 : i32 to index
      %swap3A_1001 = arith.constant 48 : index
      %swap3A_1002 = tpu.vector_load %arg9[%swap3A_1000, %swap3A_1001] {strides = array<i32>} : memref<16x64xf32, #tpu.memory_space<vmem>>, vector<16xf32>,
      tpu.vector_store %arg9[%swap3A_1000, %swap3A_1001], %gather3A_998 {strides = array<i32>} : memref<16x64xf32, #tpu.memory_space<vmem>>, vector<16xf32>,
      %get3A_1003 = arith.constant 0 : index
      %get3A_1004 = tpu.vector_load %arg5[%get3A_1003] {strides = array<i32>} : memref<64xi32, #tpu.memory_space<vmem>>, vector<16xi32>,
      %broadcast_in_dim3A_1005 = arith.constant 10 : i32
      %broadcast_in_dim3A_1006 = vector.broadcast %broadcast_in_dim3A_1005 : i32 to vector<16xi32>
      %gather3A_1007 = tpu.vector_load_idx %arg7[%broadcast_in_dim3A_1006, %get3A_1004] : memref<16x2048xf32, #tpu.memory_space<vmem>>[vector<16xi32>, vector<16xi32>], vector<16xf32>,
      %swap3A_1008 = arith.constant 10 : i32
      %swap3A_1009 = arith.index_cast %swap3A_1008 : i32 to index
      %swap3A_1010 = arith.constant 0 : index
      %swap3A_1011 = tpu.vector_load %arg9[%swap3A_1009, %swap3A_1010] {strides = array<i32>} : memref<16x64xf32, #tpu.memory_space<vmem>>, vector<16xf32>,
      tpu.vector_store %arg9[%swap3A_1009, %swap3A_1010], %gather3A_1007 {strides = array<i32>} : memref<16x64xf32, #tpu.memory_space<vmem>>, vector<16xf32>,
      %get3A_1012 = arith.constant 16 : index
      %get3A_1013 = tpu.vector_load %arg5[%get3A_1012] {strides = array<i32>} : memref<64xi32, #tpu.memory_space<vmem>>, vector<16xi32>,
      %broadcast_in_dim3A_1014 = arith.constant 10 : i32
      %broadcast_in_dim3A_1015 = vector.broadcast %broadcast_in_dim3A_1014 : i32 to vector<16xi32>
      %gather3A_1016 = tpu.vector_load_idx %arg7[%broadcast_in_dim3A_1015, %get3A_1013] : memref<16x2048xf32, #tpu.memory_space<vmem>>[vector<16xi32>, vector<16xi32>], vector<16xf32>,
      %swap3A_1017 = arith.constant 10 : i32
      %swap3A_1018 = arith.index_cast %swap3A_1017 : i32 to index
      %swap3A_1019 = arith.constant 16 : index
      %swap3A_1020 = tpu.vector_load %arg9[%swap3A_1018, %swap3A_1019] {strides = array<i32>} : memref<16x64xf32, #tpu.memory_space<vmem>>, vector<16xf32>,
      tpu.vector_store %arg9[%swap3A_1018, %swap3A_1019], %gather3A_1016 {strides = array<i32>} : memref<16x64xf32, #tpu.memory_space<vmem>>, vector<16xf32>,
      %get3A_1021 = arith.constant 32 : index
      %get3A_1022 = tpu.vector_load %arg5[%get3A_1021] {strides = array<i32>} : memref<64xi32, #tpu.memory_space<vmem>>, vector<16xi32>,
      %broadcast_in_dim3A_1023 = arith.constant 10 : i32
      %broadcast_in_dim3A_1024 = vector.broadcast %broadcast_in_dim3A_1023 : i32 to vector<16xi32>
      %gather3A_1025 = tpu.vector_load_idx %arg7[%broadcast_in_dim3A_1024, %get3A_1022] : memref<16x2048xf32, #tpu.memory_space<vmem>>[vector<16xi32>, vector<16xi32>], vector<16xf32>,
      %swap3A_1026 = arith.constant 10 : i32
      %swap3A_1027 = arith.index_cast %swap3A_1026 : i32 to index
      %swap3A_1028 = arith.constant 32 : index
      %swap3A_1029 = tpu.vector_load %arg9[%swap3A_1027, %swap3A_1028] {strides = array<i32>} : memref<16x64xf32, #tpu.memory_space<vmem>>, vector<16xf32>,
      tpu.vector_store %arg9[%swap3A_1027, %swap3A_1028], %gather3A_1025 {strides = array<i32>} : memref<16x64xf32, #tpu.memory_space<vmem>>, vector<16xf32>,
      %get3A_1030 = arith.constant 48 : index
      %get3A_1031 = tpu.vector_load %arg5[%get3A_1030] {strides = array<i32>} : memref<64xi32, #tpu.memory_space<vmem>>, vector<16xi32>,
      %broadcast_in_dim3A_1032 = arith.constant 10 : i32
      %broadcast_in_dim3A_1033 = vector.broadcast %broadcast_in_dim3A_1032 : i32 to vector<16xi32>
      %gather3A_1034 = tpu.vector_load_idx %arg7[%broadcast_in_dim3A_1033, %get3A_1031] : memref<16x2048xf32, #tpu.memory_space<vmem>>[vector<16xi32>, vector<16xi32>], vector<16xf32>,
      %swap3A_1035 = arith.constant 10 : i32
      %swap3A_1036 = arith.index_cast %swap3A_1035 : i32 to index
      %swap3A_1037 = arith.constant 48 : index
      %swap3A_1038 = tpu.vector_load %arg9[%swap3A_1036, %swap3A_1037] {strides = array<i32>} : memref<16x64xf32, #tpu.memory_space<vmem>>, vector<16xf32>,
      tpu.vector_store %arg9[%swap3A_1036, %swap3A_1037], %gather3A_1034 {strides = array<i32>} : memref<16x64xf32, #tpu.memory_space<vmem>>, vector<16xf32>,
      %get3A_1039 = arith.constant 0 : index
      %get3A_1040 = tpu.vector_load %arg5[%get3A_1039] {strides = array<i32>} : memref<64xi32, #tpu.memory_space<vmem>>, vector<16xi32>,
      %broadcast_in_dim3A_1041 = arith.constant 11 : i32
      %broadcast_in_dim3A_1042 = vector.broadcast %broadcast_in_dim3A_1041 : i32 to vector<16xi32>
      %gather3A_1043 = tpu.vector_load_idx %arg7[%broadcast_in_dim3A_1042, %get3A_1040] : memref<16x2048xf32, #tpu.memory_space<vmem>>[vector<16xi32>, vector<16xi32>], vector<16xf32>,
      %swap3A_1044 = arith.constant 11 : i32
      %swap3A_1045 = arith.index_cast %swap3A_1044 : i32 to index
      %swap3A_1046 = arith.constant 0 : index
      %swap3A_1047 = tpu.vector_load %arg9[%swap3A_1045, %swap3A_1046] {strides = array<i32>} : memref<16x64xf32, #tpu.memory_space<vmem>>, vector<16xf32>,
      tpu.vector_store %arg9[%swap3A_1045, %swap3A_1046], %gather3A_1043 {strides = array<i32>} : memref<16x64xf32, #tpu.memory_space<vmem>>, vector<16xf32>,
      %get3A_1048 = arith.constant 16 : index
      %get3A_1049 = tpu.vector_load %arg5[%get3A_1048] {strides = array<i32>} : memref<64xi32, #tpu.memory_space<vmem>>, vector<16xi32>,
      %broadcast_in_dim3A_1050 = arith.constant 11 : i32
      %broadcast_in_dim3A_1051 = vector.broadcast %broadcast_in_dim3A_1050 : i32 to vector<16xi32>
      %gather3A_1052 = tpu.vector_load_idx %arg7[%broadcast_in_dim3A_1051, %get3A_1049] : memref<16x2048xf32, #tpu.memory_space<vmem>>[vector<16xi32>, vector<16xi32>], vector<16xf32>,
      %swap3A_1053 = arith.constant 11 : i32
      %swap3A_1054 = arith.index_cast %swap3A_1053 : i32 to index
      %swap3A_1055 = arith.constant 16 : index
      %swap3A_1056 = tpu.vector_load %arg9[%swap3A_1054, %swap3A_1055] {strides = array<i32>} : memref<16x64xf32, #tpu.memory_space<vmem>>, vector<16xf32>,
      tpu.vector_store %arg9[%swap3A_1054, %swap3A_1055], %gather3A_1052 {strides = array<i32>} : memref<16x64xf32, #tpu.memory_space<vmem>>, vector<16xf32>,
      %get3A_1057 = arith.constant 32 : index
      %get3A_1058 = tpu.vector_load %arg5[%get3A_1057] {strides = array<i32>} : memref<64xi32, #tpu.memory_space<vmem>>, vector<16xi32>,
      %broadcast_in_dim3A_1059 = arith.constant 11 : i32
      %broadcast_in_dim3A_1060 = vector.broadcast %broadcast_in_dim3A_1059 : i32 to vector<16xi32>
      %gather3A_1061 = tpu.vector_load_idx %arg7[%broadcast_in_dim3A_1060, %get3A_1058] : memref<16x2048xf32, #tpu.memory_space<vmem>>[vector<16xi32>, vector<16xi32>], vector<16xf32>,
      %swap3A_1062 = arith.constant 11 : i32
      %swap3A_1063 = arith.index_cast %swap3A_1062 : i32 to index
      %swap3A_1064 = arith.constant 32 : index
      %swap3A_1065 = tpu.vector_load %arg9[%swap3A_1063, %swap3A_1064] {strides = array<i32>} : memref<16x64xf32, #tpu.memory_space<vmem>>, vector<16xf32>,
      tpu.vector_store %arg9[%swap3A_1063, %swap3A_1064], %gather3A_1061 {strides = array<i32>} : memref<16x64xf32, #tpu.memory_space<vmem>>, vector<16xf32>,
      %get3A_1066 = arith.constant 48 : index
      %get3A_1067 = tpu.vector_load %arg5[%get3A_1066] {strides = array<i32>} : memref<64xi32, #tpu.memory_space<vmem>>, vector<16xi32>,
      %broadcast_in_dim3A_1068 = arith.constant 11 : i32
      %broadcast_in_dim3A_1069 = vector.broadcast %broadcast_in_dim3A_1068 : i32 to vector<16xi32>
      %gather3A_1070 = tpu.vector_load_idx %arg7[%broadcast_in_dim3A_1069, %get3A_1067] : memref<16x2048xf32, #tpu.memory_space<vmem>>[vector<16xi32>, vector<16xi32>], vector<16xf32>,
      %swap3A_1071 = arith.constant 11 : i32
      %swap3A_1072 = arith.index_cast %swap3A_1071 : i32 to index
      %swap3A_1073 = arith.constant 48 : index
      %swap3A_1074 = tpu.vector_load %arg9[%swap3A_1072, %swap3A_1073] {strides = array<i32>} : memref<16x64xf32, #tpu.memory_space<vmem>>, vector<16xf32>,
      tpu.vector_store %arg9[%swap3A_1072, %swap3A_1073], %gather3A_1070 {strides = array<i32>} : memref<16x64xf32, #tpu.memory_space<vmem>>, vector<16xf32>,
      %get3A_1075 = arith.constant 0 : index
      %get3A_1076 = tpu.vector_load %arg5[%get3A_1075] {strides = array<i32>} : memref<64xi32, #tpu.memory_space<vmem>>, vector<16xi32>,
      %broadcast_in_dim3A_1077 = arith.constant 12 : i32
      %broadcast_in_dim3A_1078 = vector.broadcast %broadcast_in_dim3A_1077 : i32 to vector<16xi32>
      %gather3A_1079 = tpu.vector_load_idx %arg7[%broadcast_in_dim3A_1078, %get3A_1076] : memref<16x2048xf32, #tpu.memory_space<vmem>>[vector<16xi32>, vector<16xi32>], vector<16xf32>,
      %swap3A_1080 = arith.constant 12 : i32
      %swap3A_1081 = arith.index_cast %swap3A_1080 : i32 to index
      %swap3A_1082 = arith.constant 0 : index
      %swap3A_1083 = tpu.vector_load %arg9[%swap3A_1081, %swap3A_1082] {strides = array<i32>} : memref<16x64xf32, #tpu.memory_space<vmem>>, vector<16xf32>,
      tpu.vector_store %arg9[%swap3A_1081, %swap3A_1082], %gather3A_1079 {strides = array<i32>} : memref<16x64xf32, #tpu.memory_space<vmem>>, vector<16xf32>,
      %get3A_1084 = arith.constant 16 : index
      %get3A_1085 = tpu.vector_load %arg5[%get3A_1084] {strides = array<i32>} : memref<64xi32, #tpu.memory_space<vmem>>, vector<16xi32>,
      %broadcast_in_dim3A_1086 = arith.constant 12 : i32
      %broadcast_in_dim3A_1087 = vector.broadcast %broadcast_in_dim3A_1086 : i32 to vector<16xi32>
      %gather3A_1088 = tpu.vector_load_idx %arg7[%broadcast_in_dim3A_1087, %get3A_1085] : memref<16x2048xf32, #tpu.memory_space<vmem>>[vector<16xi32>, vector<16xi32>], vector<16xf32>,
      %swap3A_1089 = arith.constant 12 : i32
      %swap3A_1090 = arith.index_cast %swap3A_1089 : i32 to index
      %swap3A_1091 = arith.constant 16 : index
      %swap3A_1092 = tpu.vector_load %arg9[%swap3A_1090, %swap3A_1091] {strides = array<i32>} : memref<16x64xf32, #tpu.memory_space<vmem>>, vector<16xf32>,
      tpu.vector_store %arg9[%swap3A_1090, %swap3A_1091], %gather3A_1088 {strides = array<i32>} : memref<16x64xf32, #tpu.memory_space<vmem>>, vector<16xf32>,
      %get3A_1093 = arith.constant 32 : index
      %get3A_1094 = tpu.vector_load %arg5[%get3A_1093] {strides = array<i32>} : memref<64xi32, #tpu.memory_space<vmem>>, vector<16xi32>,
      %broadcast_in_dim3A_1095 = arith.constant 12 : i32
      %broadcast_in_dim3A_1096 = vector.broadcast %broadcast_in_dim3A_1095 : i32 to vector<16xi32>
      %gather3A_1097 = tpu.vector_load_idx %arg7[%broadcast_in_dim3A_1096, %get3A_1094] : memref<16x2048xf32, #tpu.memory_space<vmem>>[vector<16xi32>, vector<16xi32>], vector<16xf32>,
      %swap3A_1098 = arith.constant 12 : i32
      %swap3A_1099 = arith.index_cast %swap3A_1098 : i32 to index
      %swap3A_1100 = arith.constant 32 : index
      %swap3A_1101 = tpu.vector_load %arg9[%swap3A_1099, %swap3A_1100] {strides = array<i32>} : memref<16x64xf32, #tpu.memory_space<vmem>>, vector<16xf32>,
      tpu.vector_store %arg9[%swap3A_1099, %swap3A_1100], %gather3A_1097 {strides = array<i32>} : memref<16x64xf32, #tpu.memory_space<vmem>>, vector<16xf32>,
      %get3A_1102 = arith.constant 48 : index
      %get3A_1103 = tpu.vector_load %arg5[%get3A_1102] {strides = array<i32>} : memref<64xi32, #tpu.memory_space<vmem>>, vector<16xi32>,
      %broadcast_in_dim3A_1104 = arith.constant 12 : i32
      %broadcast_in_dim3A_1105 = vector.broadcast %broadcast_in_dim3A_1104 : i32 to vector<16xi32>
      %gather3A_1106 = tpu.vector_load_idx %arg7[%broadcast_in_dim3A_1105, %get3A_1103] : memref<16x2048xf32, #tpu.memory_space<vmem>>[vector<16xi32>, vector<16xi32>], vector<16xf32>,
      %swap3A_1107 = arith.constant 12 : i32
      %swap3A_1108 = arith.index_cast %swap3A_1107 : i32 to index
      %swap3A_1109 = arith.constant 48 : index
      %swap3A_1110 = tpu.vector_load %arg9[%swap3A_1108, %swap3A_1109] {strides = array<i32>} : memref<16x64xf32, #tpu.memory_space<vmem>>, vector<16xf32>,
      tpu.vector_store %arg9[%swap3A_1108, %swap3A_1109], %gather3A_1106 {strides = array<i32>} : memref<16x64xf32, #tpu.memory_space<vmem>>, vector<16xf32>,
      %get3A_1111 = arith.constant 0 : index
      %get3A_1112 = tpu.vector_load %arg5[%get3A_1111] {strides = array<i32>} : memref<64xi32, #tpu.memory_space<vmem>>, vector<16xi32>,
      %broadcast_in_dim3A_1113 = arith.constant 13 : i32
      %broadcast_in_dim3A_1114 = vector.broadcast %broadcast_in_dim3A_1113 : i32 to vector<16xi32>
      %gather3A_1115 = tpu.vector_load_idx %arg7[%broadcast_in_dim3A_1114, %get3A_1112] : memref<16x2048xf32, #tpu.memory_space<vmem>>[vector<16xi32>, vector<16xi32>], vector<16xf32>,
      %swap3A_1116 = arith.constant 13 : i32
      %swap3A_1117 = arith.index_cast %swap3A_1116 : i32 to index
      %swap3A_1118 = arith.constant 0 : index
      %swap3A_1119 = tpu.vector_load %arg9[%swap3A_1117, %swap3A_1118] {strides = array<i32>} : memref<16x64xf32, #tpu.memory_space<vmem>>, vector<16xf32>,
      tpu.vector_store %arg9[%swap3A_1117, %swap3A_1118], %gather3A_1115 {strides = array<i32>} : memref<16x64xf32, #tpu.memory_space<vmem>>, vector<16xf32>,
      %get3A_1120 = arith.constant 16 : index
      %get3A_1121 = tpu.vector_load %arg5[%get3A_1120] {strides = array<i32>} : memref<64xi32, #tpu.memory_space<vmem>>, vector<16xi32>,
      %broadcast_in_dim3A_1122 = arith.constant 13 : i32
      %broadcast_in_dim3A_1123 = vector.broadcast %broadcast_in_dim3A_1122 : i32 to vector<16xi32>
      %gather3A_1124 = tpu.vector_load_idx %arg7[%broadcast_in_dim3A_1123, %get3A_1121] : memref<16x2048xf32, #tpu.memory_space<vmem>>[vector<16xi32>, vector<16xi32>], vector<16xf32>,
      %swap3A_1125 = arith.constant 13 : i32
      %swap3A_1126 = arith.index_cast %swap3A_1125 : i32 to index
      %swap3A_1127 = arith.constant 16 : index
      %swap3A_1128 = tpu.vector_load %arg9[%swap3A_1126, %swap3A_1127] {strides = array<i32>} : memref<16x64xf32, #tpu.memory_space<vmem>>, vector<16xf32>,
      tpu.vector_store %arg9[%swap3A_1126, %swap3A_1127], %gather3A_1124 {strides = array<i32>} : memref<16x64xf32, #tpu.memory_space<vmem>>, vector<16xf32>,
      %get3A_1129 = arith.constant 32 : index
      %get3A_1130 = tpu.vector_load %arg5[%get3A_1129] {strides = array<i32>} : memref<64xi32, #tpu.memory_space<vmem>>, vector<16xi32>,
      %broadcast_in_dim3A_1131 = arith.constant 13 : i32
      %broadcast_in_dim3A_1132 = vector.broadcast %broadcast_in_dim3A_1131 : i32 to vector<16xi32>
      %gather3A_1133 = tpu.vector_load_idx %arg7[%broadcast_in_dim3A_1132, %get3A_1130] : memref<16x2048xf32, #tpu.memory_space<vmem>>[vector<16xi32>, vector<16xi32>], vector<16xf32>,
      %swap3A_1134 = arith.constant 13 : i32
      %swap3A_1135 = arith.index_cast %swap3A_1134 : i32 to index
      %swap3A_1136 = arith.constant 32 : index
      %swap3A_1137 = tpu.vector_load %arg9[%swap3A_1135, %swap3A_1136] {strides = array<i32>} : memref<16x64xf32, #tpu.memory_space<vmem>>, vector<16xf32>,
      tpu.vector_store %arg9[%swap3A_1135, %swap3A_1136], %gather3A_1133 {strides = array<i32>} : memref<16x64xf32, #tpu.memory_space<vmem>>, vector<16xf32>,
      %get3A_1138 = arith.constant 48 : index
      %get3A_1139 = tpu.vector_load %arg5[%get3A_1138] {strides = array<i32>} : memref<64xi32, #tpu.memory_space<vmem>>, vector<16xi32>,
      %broadcast_in_dim3A_1140 = arith.constant 13 : i32
      %broadcast_in_dim3A_1141 = vector.broadcast %broadcast_in_dim3A_1140 : i32 to vector<16xi32>
      %gather3A_1142 = tpu.vector_load_idx %arg7[%broadcast_in_dim3A_1141, %get3A_1139] : memref<16x2048xf32, #tpu.memory_space<vmem>>[vector<16xi32>, vector<16xi32>], vector<16xf32>,
      %swap3A_1143 = arith.constant 13 : i32
      %swap3A_1144 = arith.index_cast %swap3A_1143 : i32 to index
      %swap3A_1145 = arith.constant 48 : index
      %swap3A_1146 = tpu.vector_load %arg9[%swap3A_1144, %swap3A_1145] {strides = array<i32>} : memref<16x64xf32, #tpu.memory_space<vmem>>, vector<16xf32>,
      tpu.vector_store %arg9[%swap3A_1144, %swap3A_1145], %gather3A_1142 {strides = array<i32>} : memref<16x64xf32, #tpu.memory_space<vmem>>, vector<16xf32>,
      %get3A_1147 = arith.constant 0 : index
      %get3A_1148 = tpu.vector_load %arg5[%get3A_1147] {strides = array<i32>} : memref<64xi32, #tpu.memory_space<vmem>>, vector<16xi32>,
      %broadcast_in_dim3A_1149 = arith.constant 14 : i32
      %broadcast_in_dim3A_1150 = vector.broadcast %broadcast_in_dim3A_1149 : i32 to vector<16xi32>
      %gather3A_1151 = tpu.vector_load_idx %arg7[%broadcast_in_dim3A_1150, %get3A_1148] : memref<16x2048xf32, #tpu.memory_space<vmem>>[vector<16xi32>, vector<16xi32>], vector<16xf32>,
      %swap3A_1152 = arith.constant 14 : i32
      %swap3A_1153 = arith.index_cast %swap3A_1152 : i32 to index
      %swap3A_1154 = arith.constant 0 : index
      %swap3A_1155 = tpu.vector_load %arg9[%swap3A_1153, %swap3A_1154] {strides = array<i32>} : memref<16x64xf32, #tpu.memory_space<vmem>>, vector<16xf32>,
      tpu.vector_store %arg9[%swap3A_1153, %swap3A_1154], %gather3A_1151 {strides = array<i32>} : memref<16x64xf32, #tpu.memory_space<vmem>>, vector<16xf32>,
      %get3A_1156 = arith.constant 16 : index
      %get3A_1157 = tpu.vector_load %arg5[%get3A_1156] {strides = array<i32>} : memref<64xi32, #tpu.memory_space<vmem>>, vector<16xi32>,
      %broadcast_in_dim3A_1158 = arith.constant 14 : i32
      %broadcast_in_dim3A_1159 = vector.broadcast %broadcast_in_dim3A_1158 : i32 to vector<16xi32>
      %gather3A_1160 = tpu.vector_load_idx %arg7[%broadcast_in_dim3A_1159, %get3A_1157] : memref<16x2048xf32, #tpu.memory_space<vmem>>[vector<16xi32>, vector<16xi32>], vector<16xf32>,
      %swap3A_1161 = arith.constant 14 : i32
      %swap3A_1162 = arith.index_cast %swap3A_1161 : i32 to index
      %swap3A_1163 = arith.constant 16 : index
      %swap3A_1164 = tpu.vector_load %arg9[%swap3A_1162, %swap3A_1163] {strides = array<i32>} : memref<16x64xf32, #tpu.memory_space<vmem>>, vector<16xf32>,
      tpu.vector_store %arg9[%swap3A_1162, %swap3A_1163], %gather3A_1160 {strides = array<i32>} : memref<16x64xf32, #tpu.memory_space<vmem>>, vector<16xf32>,
      %get3A_1165 = arith.constant 32 : index
      %get3A_1166 = tpu.vector_load %arg5[%get3A_1165] {strides = array<i32>} : memref<64xi32, #tpu.memory_space<vmem>>, vector<16xi32>,
      %broadcast_in_dim3A_1167 = arith.constant 14 : i32
      %broadcast_in_dim3A_1168 = vector.broadcast %broadcast_in_dim3A_1167 : i32 to vector<16xi32>
      %gather3A_1169 = tpu.vector_load_idx %arg7[%broadcast_in_dim3A_1168, %get3A_1166] : memref<16x2048xf32, #tpu.memory_space<vmem>>[vector<16xi32>, vector<16xi32>], vector<16xf32>,
      %swap3A_1170 = arith.constant 14 : i32
      %swap3A_1171 = arith.index_cast %swap3A_1170 : i32 to index
      %swap3A_1172 = arith.constant 32 : index
      %swap3A_1173 = tpu.vector_load %arg9[%swap3A_1171, %swap3A_1172] {strides = array<i32>} : memref<16x64xf32, #tpu.memory_space<vmem>>, vector<16xf32>,
      tpu.vector_store %arg9[%swap3A_1171, %swap3A_1172], %gather3A_1169 {strides = array<i32>} : memref<16x64xf32, #tpu.memory_space<vmem>>, vector<16xf32>,
      %get3A_1174 = arith.constant 48 : index
      %get3A_1175 = tpu.vector_load %arg5[%get3A_1174] {strides = array<i32>} : memref<64xi32, #tpu.memory_space<vmem>>, vector<16xi32>,
      %broadcast_in_dim3A_1176 = arith.constant 14 : i32
      %broadcast_in_dim3A_1177 = vector.broadcast %broadcast_in_dim3A_1176 : i32 to vector<16xi32>
      %gather3A_1178 = tpu.vector_load_idx %arg7[%broadcast_in_dim3A_1177, %get3A_1175] : memref<16x2048xf32, #tpu.memory_space<vmem>>[vector<16xi32>, vector<16xi32>], vector<16xf32>,
      %swap3A_1179 = arith.constant 14 : i32
      %swap3A_1180 = arith.index_cast %swap3A_1179 : i32 to index
      %swap3A_1181 = arith.constant 48 : index
      %swap3A_1182 = tpu.vector_load %arg9[%swap3A_1180, %swap3A_1181] {strides = array<i32>} : memref<16x64xf32, #tpu.memory_space<vmem>>, vector<16xf32>,
      tpu.vector_store %arg9[%swap3A_1180, %swap3A_1181], %gather3A_1178 {strides = array<i32>} : memref<16x64xf32, #tpu.memory_space<vmem>>, vector<16xf32>,
      %get3A_1183 = arith.constant 0 : index
      %get3A_1184 = tpu.vector_load %arg5[%get3A_1183] {strides = array<i32>} : memref<64xi32, #tpu.memory_space<vmem>>, vector<16xi32>,
      %broadcast_in_dim3A_1185 = arith.constant 15 : i32
      %broadcast_in_dim3A_1186 = vector.broadcast %broadcast_in_dim3A_1185 : i32 to vector<16xi32>
      %gather3A_1187 = tpu.vector_load_idx %arg7[%broadcast_in_dim3A_1186, %get3A_1184] : memref<16x2048xf32, #tpu.memory_space<vmem>>[vector<16xi32>, vector<16xi32>], vector<16xf32>,
      %swap3A_1188 = arith.constant 15 : i32
      %swap3A_1189 = arith.index_cast %swap3A_1188 : i32 to index
      %swap3A_1190 = arith.constant 0 : index
      %swap3A_1191 = tpu.vector_load %arg9[%swap3A_1189, %swap3A_1190] {strides = array<i32>} : memref<16x64xf32, #tpu.memory_space<vmem>>, vector<16xf32>,
      tpu.vector_store %arg9[%swap3A_1189, %swap3A_1190], %gather3A_1187 {strides = array<i32>} : memref<16x64xf32, #tpu.memory_space<vmem>>, vector<16xf32>,
      %get3A_1192 = arith.constant 16 : index
      %get3A_1193 = tpu.vector_load %arg5[%get3A_1192] {strides = array<i32>} : memref<64xi32, #tpu.memory_space<vmem>>, vector<16xi32>,
      %broadcast_in_dim3A_1194 = arith.constant 15 : i32
      %broadcast_in_dim3A_1195 = vector.broadcast %broadcast_in_dim3A_1194 : i32 to vector<16xi32>
      %gather3A_1196 = tpu.vector_load_idx %arg7[%broadcast_in_dim3A_1195, %get3A_1193] : memref<16x2048xf32, #tpu.memory_space<vmem>>[vector<16xi32>, vector<16xi32>], vector<16xf32>,
      %swap3A_1197 = arith.constant 15 : i32
      %swap3A_1198 = arith.index_cast %swap3A_1197 : i32 to index
      %swap3A_1199 = arith.constant 16 : index
      %swap3A_1200 = tpu.vector_load %arg9[%swap3A_1198, %swap3A_1199] {strides = array<i32>} : memref<16x64xf32, #tpu.memory_space<vmem>>, vector<16xf32>,
      tpu.vector_store %arg9[%swap3A_1198, %swap3A_1199], %gather3A_1196 {strides = array<i32>} : memref<16x64xf32, #tpu.memory_space<vmem>>, vector<16xf32>,
      %get3A_1201 = arith.constant 32 : index
      %get3A_1202 = tpu.vector_load %arg5[%get3A_1201] {strides = array<i32>} : memref<64xi32, #tpu.memory_space<vmem>>, vector<16xi32>,
      %broadcast_in_dim3A_1203 = arith.constant 15 : i32
      %broadcast_in_dim3A_1204 = vector.broadcast %broadcast_in_dim3A_1203 : i32 to vector<16xi32>
      %gather3A_1205 = tpu.vector_load_idx %arg7[%broadcast_in_dim3A_1204, %get3A_1202] : memref<16x2048xf32, #tpu.memory_space<vmem>>[vector<16xi32>, vector<16xi32>], vector<16xf32>,
      %swap3A_1206 = arith.constant 15 : i32
      %swap3A_1207 = arith.index_cast %swap3A_1206 : i32 to index
      %swap3A_1208 = arith.constant 32 : index
      %swap3A_1209 = tpu.vector_load %arg9[%swap3A_1207, %swap3A_1208] {strides = array<i32>} : memref<16x64xf32, #tpu.memory_space<vmem>>, vector<16xf32>,
      tpu.vector_store %arg9[%swap3A_1207, %swap3A_1208], %gather3A_1205 {strides = array<i32>} : memref<16x64xf32, #tpu.memory_space<vmem>>, vector<16xf32>,
      %get3A_1210 = arith.constant 48 : index
      %get3A_1211 = tpu.vector_load %arg5[%get3A_1210] {strides = array<i32>} : memref<64xi32, #tpu.memory_space<vmem>>, vector<16xi32>,
      %broadcast_in_dim3A_1212 = arith.constant 15 : i32
      %broadcast_in_dim3A_1213 = vector.broadcast %broadcast_in_dim3A_1212 : i32 to vector<16xi32>
      %gather3A_1214 = tpu.vector_load_idx %arg7[%broadcast_in_dim3A_1213, %get3A_1211] : memref<16x2048xf32, #tpu.memory_space<vmem>>[vector<16xi32>, vector<16xi32>], vector<16xf32>,
      %swap3A_1215 = arith.constant 15 : i32
      %swap3A_1216 = arith.index_cast %swap3A_1215 : i32 to index
      %swap3A_1217 = arith.constant 48 : index
      %swap3A_1218 = tpu.vector_load %arg9[%swap3A_1216, %swap3A_1217] {strides = array<i32>} : memref<16x64xf32, #tpu.memory_space<vmem>>, vector<16xf32>,
      tpu.vector_store %arg9[%swap3A_1216, %swap3A_1217], %gather3A_1214 {strides = array<i32>} : memref<16x64xf32, #tpu.memory_space<vmem>>, vector<16xf32>,
      %mul3A_1219 = arith.constant 16 : i32
      %mul3A_1220 = arith.muli %add3A_630, %mul3A_1219 : i32
      %add3A_1221 = arith.addi %mul3A_2, %mul3A_1220 : i32
      %dma_start3A_1222 = arith.constant 0 : i32
      %dma_start3A_1223 = tpu.memref_slice %arg4[%add3A_1221, %dma_start3A_1222] : memref<16384x64xf32, #tpu.memory_space<hbm>> -> memref<16x64xf32, #tpu.memory_space<hbm>>
      %dma_start3A_1224 = arith.constant 0 : i32
      %dma_start3A_1225 = tpu.memref_slice %arg4[%add3A_1221, %dma_start3A_1224] : memref<16384x64xf32, #tpu.memory_space<hbm>> -> memref<16x64xf32, #tpu.memory_space<hbm>>
      tpu.enqueue_dma source(%arg9 : memref<16x64xf32, #tpu.memory_space<vmem>>) target(%dma_start3A_1225 : memref<16x64xf32, #tpu.memory_space<hbm>>) target_semaphore(%arg13 : memref<!tpu.dma_semaphore, #tpu.memory_space<semaphore_mem>>)
      %add3A_1226 = arith.constant 2 : i32
      %add3A_1227 = arith.addi %add3A_630, %add3A_1226 : i32
      %lt3A_1228 = arith.constant 32 : i32
      %lt3A_1229 = arith.cmpi slt, %add3A_1227, %lt3A_1228 : i32
      %convert_element_type3A_1230 = arith.extui %lt3A_1229 : i1 to i32
      %cond3A_1231 = arith.constant 0 : i32
      %cond3A_1232 = arith.cmpi ne, %convert_element_type3A_1230, %cond3A_1231 : i32
      scf.if %cond3A_1232 {
        %add3A_1233 = arith.constant 2 : i32
        %add3A_1234 = arith.addi %add3A_630, %add3A_1233 : i32
        %mul3A_1235 = arith.constant 16 : i32
        %mul3A_1236 = arith.muli %add3A_1234, %mul3A_1235 : i32
        %add3A_1237 = arith.addi %mul3A_2, %mul3A_1236 : i32
        %dma_start3A_1238 = arith.constant 0 : i32
        %dma_start3A_1239 = tpu.memref_slice %arg2[%add3A_1237, %dma_start3A_1238] : memref<16384x2048xf32, #tpu.memory_space<hbm>> -> memref<16x2048xf32, #tpu.memory_space<hbm>>
        %dma_start3A_1240 = arith.constant 0 : i32
        %dma_start3A_1241 = tpu.memref_slice %arg2[%add3A_1237, %dma_start3A_1240] : memref<16384x2048xf32, #tpu.memory_space<hbm>> -> memref<16x2048xf32, #tpu.memory_space<hbm>>
        tpu.enqueue_dma source(%dma_start3A_1241 : memref<16x2048xf32, #tpu.memory_space<hbm>>) target(%arg7 : memref<16x2048xf32, #tpu.memory_space<vmem>>) target_semaphore(%arg11 : memref<!tpu.dma_semaphore, #tpu.memory_space<semaphore_mem>>)
      } else {
      }
    }
    %scan3A_18 = arith.constant 16 : i32
    %add3A_19 = arith.constant 480 : i32
    %add3A_20 = arith.addi %mul3A_2, %add3A_19 : i32
    %dma_wait3A = arith.constant 0 : i32
    %dma_wait3A_21 = tpu.memref_slice %arg4[%add3A_20, %dma_wait3A] : memref<16384x64xf32, #tpu.memory_space<hbm>> -> memref<16x64xf32, #tpu.memory_space<hbm>>
    %dma_wait3A_22 = arith.constant 0 : i32
    %dma_wait3A_23 = tpu.memref_slice %arg4[%add3A_20, %dma_wait3A_22] : memref<16384x64xf32, #tpu.memory_space<hbm>> -> memref<16x64xf32, #tpu.memory_space<hbm>>
    tpu.wait_dma2 semaphore(%arg12 : memref<!tpu.dma_semaphore, #tpu.memory_space<semaphore_mem>>) src(%arg8 : memref<16x64xf32, #tpu.memory_space<vmem>>) dst(%dma_wait3A_23 : memref<16x64xf32, #tpu.memory_space<hbm>>)
    %add3A_24 = arith.constant 496 : i32
    %add3A_25 = arith.addi %mul3A_2, %add3A_24 : i32
    %dma_wait3A_26 = arith.constant 0 : i32
    %dma_wait3A_27 = tpu.memref_slice %arg4[%add3A_25, %dma_wait3A_26] : memref<16384x64xf32, #tpu.memory_space<hbm>> -> memref<16x64xf32, #tpu.memory_space<hbm>>
    %dma_wait3A_28 = arith.constant 0 : i32
    %dma_wait3A_29 = tpu.memref_slice %arg4[%add3A_25, %dma_wait3A_28] : memref<16384x64xf32, #tpu.memory_space<hbm>> -> memref<16x64xf32, #tpu.memory_space<hbm>>
    tpu.wait_dma2 semaphore(%arg13 : memref<!tpu.dma_semaphore, #tpu.memory_space<semaphore_mem>>) src(%arg9 : memref<16x64xf32, #tpu.memory_space<vmem>>) dst(%dma_wait3A_29 : memref<16x64xf32, #tpu.memory_space<hbm>>)
    return
  }
}

</mosaic_0001>

<sc_bundles>
// kernel: kernel.3.cloned.1.call-start
scs
__scs_entry_jumppad:
0x0: {  	(pc) =	sbr.rel $0x88, $3  }
0x1: {  	(tag) =	ssettag $0x0;
	lr =	simm.s32 $0x1  }
0x2: {  	[smem:$0x3F9F] =	sst lr;
	_ =	strace $0xD0000000  }
0x3: {  	_ = 	snop  }
0x4: {  	_ = 	snop  }
0x5: {  	_ = 	snop  }
0x6: {  	_ = 	snop  }
0x7: {  	_ = 	snop  }
__scs_overlays_trampoline_lowered:
0x8: {  	[smem:$0x3FAE] =	sst s0  }
0x9: {  	[smem:$0x3FAF] =	sst s1  }
0xa: {  	[smem:$0x3FB0] =	sst s2  }
0xb: {  	[smem:$0x3FB1] =	sst s3  }
0xc: {  	[smem:$0x3FB2] =	sst s4  }
0xd: {  	[smem:$0x3FB3] =	sst s5  }
0xe: {  	[smem:$0x3FB4] =	sst s6  }
0xf: {  	[smem:$0x3FB5] =	sst s7  }
0x10: {  	[smem:$0x3FB6] =	sst s8  }
0x11: {  	[smem:$0x3FB7] =	sst s9;
	s0 =	simm.s32 @!p0 $0x0  }
0x12: {  	s1 =	sld [smem:$0x3F9D];
	s0 =	simm.s32 @p0 $0x1  }
0x13: {  	[smem:$0x3FB8] =	sst s0;
	s0 =	simm.s32 @!p1 $0x0  }
0x14: {  	s2 =	sld [smem:$0x3F9C];
	s0 =	simm.s32 @p1 $0x1  }
0x15: {  	[smem:$0x3FB9] =	sst s0;
	s0 =	simm.s32 @!p2 $0x0  }
0x16: {  	s3 =	sld [smem:$0x3FDB];
	s0 =	simm.s32 @p2 $0x1  }
0x17: {  	s4 =	simm.s32 $0x1BF5;
	[smem:$0x3FBB] =	sst s0  }
0x18: {  	s0 =	sld [smem:$0x3F9E];
	_ =	swait.ge [sflag:s4], $0x0  }
0x19: {  	s7 =	sld [smem:$0x3F9F]  }
0x1a: {  	s8 =	sadd.s32 $0xFFFFE003, lr  }
0x1b: {  	s9 =	sadd.s32 $0xFFFFFEF7, lr;
	s5 =	simm.s32 $0xFFFFFFFF;
	p2 =	slt.u32 s8, $0xFFFFF086  }
0x1c: {  	p1 =	slt.u32 s9, $0xF7A;
	s5 =	simm.s32 @!p2 $0x0  }
0x1d: {  	s5 =	simm.s32 @p1 $0x1;
	p0 =	seq.s32 s7, s2  }
0x1e: {  	s7 =	smul.u32 @!p0 $0xF7A, s2;
	p2 =	seq.s32 @!p0 s5, $0x0  }
0x1f: {  	s9 =	smul.u32 $0xF7A, s1;
	s8 =	simm.s32 @!p0 $0x1BF5;
	p2 =	por !p2, p0  }
0x20: {  	[sflag:s8] =	ssyncset.s32 @!p0 $0xFFFFF086;
	s6 =	sadd.s32 @!p0 s3, s7;
	s7 =	simm.s32 @!p0 $0x108  }
0x21: {  	s3 =	sadd.s32 s3, s9;
	s6 =	sadd.s32 @!p0 $0x88, s6;
	s7 =	simm.s32 @p2 $0x1082  }
0x22: {  	[simem:s7], [sflag:s8] =	dma.local @!p0 [hbm:s6], $0xF7A  }
0x23: {  	s9 =	sor.u32 $0xD0000000, s2;
	s6 =	simm.s32 $0x108;
	_ =	swait.ge @!p0 [sflag:s8], $0x0  }
0x24: {  	s3 =	sadd.s32 $0x88, s3;
	s6 =	simm.s32 @!p1 $0x1082;
	[sflag:s4] =	ssyncset.s32 $0xFFFFF086  }
0x25: {  	[simem:s6], [sflag:s4] =	dma.local [hbm:s3], $0xF7A  }
0x26: {  	[smem:$0x3F9F] =	sst s1;
	(tag) =	ssettag s2;
	_ =	strace s9  }
0x27: {  	s1 =	sld [smem:$0x3FAF]  }
0x28: {  	s2 =	sld [smem:$0x3FB0]  }
0x29: {  	s4 =	sld [smem:$0x3FB2]  }
0x2a: {  	p0 =	seq.s32 s5, $0x0;
	s5 =	sld [smem:$0x3FB3]  }
0x2b: {  	s6 =	sld [smem:$0x3FB4]  }
0x2c: {  	s7 =	sld [smem:$0x3FB5]  }
0x2d: {  	s3 =	simm.s32 $0x108;
	s8 =	sld [smem:$0x3FB6]  }
0x2e: {  	s3 =	simm.s32 @!p0 $0x1082;
	s9 =	sld [smem:$0x3FB7]  }
0x2f: {  	lr =	sadd.s32 s0, s3;
	s0 =	sld [smem:$0x3FAE]  }
0x30: {  	s3 =	sld [smem:$0x3FB1]  }
0x31: {  	[smem:$0x3FBA] =	sst s10  }
0x32: {  	s10 =	sld [smem:$0x3FB8];
	_ =	sdelay $0x3  }
0x33: {  	p0 =	seq.s32 s10, $0x1;
	s10 =	sld [smem:$0x3FBA];
	_ =	sdelay $0x3  }
0x34: {  	[smem:$0x3FBA] =	sst s10  }
0x35: {  	s10 =	sld [smem:$0x3FB9];
	_ =	sdelay $0x3  }
0x36: {  	p1 =	seq.s32 s10, $0x1;
	s10 =	sld [smem:$0x3FBA];
	_ =	sdelay $0x3  }
0x37: {  	[smem:$0x3FBA] =	sst s10  }
0x38: {  	s10 =	sld [smem:$0x3FBB]  }
0x39: {  	_ = 	snop;
	(pc) =	sbr.ind lr, $3  }
0x3a: {  	_ = 	snop  }
0x3b: {  	_ = 	snop  }
0x3c: {  	p2 =	seq.s32 s10, $0x1;
	s10 =	sld [smem:$0x3FBA]  }
0x3d: {  	_ =	shalt  }
0x3e: {  	_ =	shalt  }
0x3f: {  	_ =	shalt  }
0x40: {  	_ =	shalt  }
0x41: {  	_ =	shalt  }
0x42: {  	_ =	shalt  }
0x43: {  	_ =	shalt  }
0x44: {  	_ =	shalt  }
0x45: {  	_ =	shalt  }
0x46: {  	_ =	shalt  }
0x47: {  	_ =	shalt  }
0x48: {  	_ =	shalt  }
0x49: {  	_ =	shalt  }
0x4a: {  	_ =	shalt  }
0x4b: {  	_ =	shalt  }
0x4c: {  	_ =	shalt  }
0x4d: {  	_ =	shalt  }
0x4e: {  	_ =	shalt  }
0x4f: {  	_ =	shalt  }
0x50: {  	_ =	shalt  }
0x51: {  	_ =	shalt  }
0x52: {  	_ =	shalt  }
0x53: {  	_ =	shalt  }
0x54: {  	_ =	shalt  }
0x55: {  	_ =	shalt  }
0x56: {  	_ =	shalt  }
0x57: {  	_ =	shalt  }
0x58: {  	_ =	shalt  }
0x59: {  	_ =	shalt  }
0x5a: {  	_ =	shalt  }
0x5b: {  	_ =	shalt  }
0x5c: {  	_ =	shalt  }
0x5d: {  	_ =	shalt  }
0x5e: {  	_ =	shalt  }
0x5f: {  	_ =	shalt  }
0x60: {  	_ =	shalt  }
0x61: {  	_ =	shalt  }
0x62: {  	_ =	shalt  }
0x63: {  	_ =	shalt  }
0x64: {  	_ =	shalt  }
0x65: {  	_ =	shalt  }
0x66: {  	_ =	shalt  }
0x67: {  	_ =	shalt  }
0x68: {  	_ =	shalt  }
0x69: {  	_ =	shalt  }
0x6a: {  	_ =	shalt  }
0x6b: {  	_ =	shalt  }
0x6c: {  	_ =	shalt  }
0x6d: {  	_ =	shalt  }
0x6e: {  	_ =	shalt  }
0x6f: {  	_ =	shalt  }
0x70: {  	_ =	shalt  }
0x71: {  	_ =	shalt  }
0x72: {  	_ =	shalt  }
0x73: {  	_ =	shalt  }
0x74: {  	_ =	shalt  }
0x75: {  	_ =	shalt  }
0x76: {  	_ =	shalt  }
0x77: {  	_ =	shalt  }
0x78: {  	_ =	shalt  }
0x79: {  	_ =	shalt  }
0x7a: {  	_ =	shalt  }
0x7b: {  	_ =	shalt  }
0x7c: {  	_ =	shalt  }
0x7d: {  	_ =	shalt  }
0x7e: {  	_ =	shalt  }
0x7f: {  	_ =	shalt  }
0x80: {  	_ =	shalt  }
0x81: {  	_ =	shalt  }
0x82: {  	_ =	shalt  }
0x83: {  	_ =	shalt  }
0x84: {  	_ =	shalt  }
0x85: {  	_ =	shalt  }
0x86: {  	_ =	shalt  }
0x87: {  	_ =	shalt  }
.Lfunc_end0:
.L_simem_size_0:
called_computation_lowered:
.L_overlay_start_0:
0x88: {  	s2 =	sld [smem:$0x3FD9]  }
0x89: {  	s3 =	sld [smem:$0x3FFE];
	_ =	sdelay $0x1  }
0x8a: {  	s1 =	srdreg.scid  }
0x8b: {  	s0 =	sand.u32 $0x1, s1  }
0x8c: {  	s17 =	sshll.u32 s0, $0xA;
	s2 =	sadd.s32 s3, s2  }
0x8d: {  	s2 =	sadd.s32 s2, s17  }
0x8e: {  	[smem:$0x3FC6] =	sst s2  }
0x8f: {  	_ = 	snop  }
0x90: {  	s2 =	sld [smem:$0x3FC9]  }
0x91: {  	s18 =	sld [smem:$0x3FC8];
	(tm) =	ssettm $0x1  }
0x92: {  	s4 =	sld [smem:$0x3FFB];
	_ =	sdelay $0x3  }
0x93: {  	_ =	strace s4  }
0x94: {  	s4 =	sld [smem:$0x3FFC];
	_ =	sdelay $0x3  }
0x95: {  	_ =	strace s4  }
0x96: {  	s4 =	sld [smem:$0x3FFD];
	_ =	sdelay $0x3  }
0x97: {  	_ =	strace s4  }
0x98: {  	_ =	strace $0x8FFFFFFF  }
0x99: {  	s19 =	sld [smem:$0x3FDB];
	_ =	sdelay $0x1  }
0x9a: {  	s5 =	simm.s32 $_scs_section_size  }
0x9b: {  	s6 =	simm.s32 $_size__tile_overlayer_lowered;
	s7 =	simm.s32 $_tile_overlayer_lowered  }
0x9c: {  	s22 =	simm.s32 $0x1BFF;
	s21 =	sshll.u32 s7, $0x1;
	s4 =	sadd.s32 s5, s19  }
0x9d: {  	s8 =	simm.s32 $0x0;
	s20 =	sshll.u32 s6, $0x1;
	s6 =	sadd.s32 s21, s4  }
0x9e: {  	[timem:s8], [sflag:s22] =	dma.local [hbm:s6], s20  }
0x9f: {  	_ =	swait.ge [sflag:s22], s20  }
0xa0: {  	s5 =	ssub.s32 $0x0, s20;
	[sflag:s22] =	ssyncset.done $0x0  }
0xa1: {  	[sflag:s22] =	ssyncadd.s32 s5;
	_ =	sdelay $0x1  }
0xa2: {  	s23 =	simm.s32 $0x1B8B  }
0xa3: {  	_ =	swait.ge [sflag:s23], $0x1  }
0xa4: {  	[sflag:s23] =	ssyncset.done $0x0  }
0xa5: {  	s25 =	simm.s32 $0x1B8E;
	s24 =	sld [smem:$0x3FFE];
	[sflag:s23] =	ssyncadd.s32 $0xFFFFFFFF  }
0xa6: {  	s26 =	simm.s32 $execute0_lowered;
	[smem:$0x3FD2] =	sst s25  }
0xa7: {  	s6 =	sshll.u32 s26, $0x1;
	_ =	strace $0x80000046;
	[dreg:$0x1] =	wrdreg $0xFFFFFFFF  }
0xa8: {  	s28 =	simm.s32 $_size_execute0_lowered;
	s4 =	sadd.s32 s4, s6;
	[dreg:$0x0] =	wrdreg $0x0  }
0xa9: {  	s6 =	sshll.u32 s28, $0x1;
	[dreg:$0x2] =	wrdreg s4  }
0xaa: {  	[dreg:$0x3] =	wrdreg s6  }
0xab: {  	[dreg:$0x4] =	wrdreg $0xC0  }
0xac: {  	_ =	task [dreg:s8], $0x5FFFF  }
0xad: {  	[dreg:$0x1] =	wrdreg $0xFFFFFFFF  }
0xae: {  	[dreg:$0x0] =	wrdreg $0x60  }
0xaf: {  	[dreg:$0x2] =	wrdreg s2  }
0xb0: {  	[dreg:$0x3] =	wrdreg s18  }
0xb1: {  	[dreg:$0x4] =	wrdreg s24  }
0xb2: {  	[dreg:$0x5] =	wrdreg $0x9  }
0xb3: {  	_ =	task.clear_ibuf [dreg:s8], $0x6FFFF;
	_ =	strace $0x90000046  }
0xb4: {  	s29 =	simm.s32 $0x9;
	_ =	strace $0x80000048  }
0xb5: {  	_ =	swait.ge [sflag:s29], $0x1  }
0xb6: {  	[sflag:s29] =	ssyncadd.s32 $0xFFFFFFFF  }
0xb7: {  	_ =	strace $0x90000048  }
0xb8: {  	_ =	sfence  }
0xb9: {  	s30 =	sld [smem:$0x0];
	_ =	sdelay $0x2  }
0xba: {  	s31 =	sshll.u32 s1, $0xD;
	s1 =	sshrl.u32 s1, $0x2  }
0xbb: {  	s3 =	sand.u32 $0x4000, s31;
	s1 =	sadd.s32 s1, s30  }
0xbc: {  	s0 =	sor.u32 s3, s0;
	s1 =	sshll.u32 s1, $0x11  }
0xbd: {  	s0 =	sor.u32 s1, s0  }
0xbe: {  	s0 =	sadd.s32 $0x8F2B, s0  }
0xbf: {  	[sflag:s0] =	ssyncadd.remote.s32 $0x1  }
0xc0: {  	_ =	sfence.sel $0xFFFF  }
0xc1: {  	[dreg:$0x0] =	wrdreg $0xFFFFFFFF;
	(pc) =	sbr.abs _section_cstart, $3  }
0xc2: {  	[dreg:$0x1] =	wrdreg $0xFFFFFFFF  }
0xc3: {  	_ =	task.clear_ibuf [dreg:s8], $0x2FFFF;
	_ =	strace $0x9FFFFFFF  }
0xc4: {  	(tm) =	ssettm $0x7FFFFFFF  }
0xc5: {  	_ =	shalt  }
tec
execute0_lowered:
.L_overlay_start_1:
0x0: {  	(tag) =	ssettag $0x1  }
0x1: {  	s6 =	rddreg [dreg:$0x0]  }
0x2: {  	s1 =	rddreg [dreg:$0x1]  }
0x3: {  	s4 =	rddreg [dreg:$0x2]  }
0x4: {  	s0 =	rddreg [dreg:$0x3];
	s3 =	simm.s32 $0x0  }
0x5: {  	s5 =	srdreg.scid;
	s2 =	stileid.u32;
	s13 =	simm.s32 $0x10080  }
0x6: {  	s14 =	simm.s32 $0x2;
	s15 =	simm.s32 $0x4;
	s16 =	simm.s32 $0x10880  }
0x7: {  	s17 =	simm.s32 $0x3;
	s18 =	simm.s32 $0x0;
	[smem:$0x7FF] =	sst s3  }
0x8: {  	s7 =	sand.u32 $0x1, s5;
	s8 =	sshll.u32 s2, $0x12;
	s10 =	sshll.u32 s2, $0xE  }
0x9: {  	_ =	strace $0x80000047;
	s5 =	ssub.s32 $0x2, s7;
	s9 =	sshll.u32 s7, $0x11  }
0xa: {  	s10 =	sadd.s32 s10, s4;
	s7 =	sshll.u32 s7, $0xD;
	s11 =	sshrl.u32 s5, $0x1  }
.Ltmp0:
0xb: {  	s12 =	sor.u32 s9, s8;
	s8 =	sadd.s32 s8, s6;
	(pc) =	sbr.rel .LBB2_1-.Ltmp0, $4  }
0xc: {  	s7 =	sadd.s32 s7, s10;
	s10 =	simm.s32 $0x80;
	s11 =	ssub.s32 s5, s11  }
0xd: {  	s4 =	sadd.s32 s6, s12;
	s8 =	sadd.s32 s9, s8;
	s7 =	sadd.s32 $0x400, s7  }
0xe: {  	s9 =	simm.s32 $0x5;
	s12 =	simm.s32 $0x1;
	s5 =	sadd.s32 $0x1000, s4  }
0xf: {  	s6 =	smax.u32 s11, $0x1;
	s8 =	sadd.s32 $0x3000, s8;
	s11 =	simm.s32 $0x8080  }
.LBB2_8:
0x10: {  	s18 =	sadd.s32 $0x1, s18  }
0x11: {  	_ =	swait.ge [sflag:s17], $0x800;
	p0 =	sne.s32 s18, s6  }
.Ltmp1:
0x12: {  	[sflag:s17] =	ssyncset.done $0x0;
	(pc) =	sbr.rel @!p0 .LBB2_9-.Ltmp1, $4  }
0x13: {  	[sflag:s17] =	ssyncadd.s32 $0xFFFFF800  }
0x14: {  	_ =	swait.ge [sflag:s15], $0x800  }
0x15: {  	[sflag:s15] =	ssyncset.done $0x0  }
0x16: {  	[sflag:s15] =	ssyncadd.s32 $0xFFFFF800  }
.LBB2_1:
0x17: {  	[tilespmem:s3], [sflag:$0x5] =	stream.linear.gather [hbm4b:s1+s3], $0x80, $0x38;
	[tilespmem:$0x11080] =	vst v63  }
0x18: {  	_ =	swait.ge [sflag:s9], $0x80  }
0x19: {  	[sflag:s9] =	ssyncset.done $0x0  }
0x1a: {  	[sflag:s9] =	ssyncadd.s32 $0xFFFFFF80  }
0x1b: {  	[tilespmem:s10], [sflag:$0x1] =	stream.linear.gather [hbm4b:s4+s3], $0x8000, $0x38;
	[tilespmem:$0x11080] =	vst v63  }
0x1c: {  	s19 =	smov.u32 s8;
	s20 =	simm.s32 $0x0  }
0x1d: {  	[tilespmem:s11], [sflag:$0x2] =	stream.linear.gather [hbm4b:s5+s3], $0x8000, $0x38;
	[tilespmem:$0x11080] =	vst v63  }
.LBB2_2:
0x1e: {  	_ =	swait.ge [sflag:s12], $0x8000  }
0x1f: {  	p0 =	seq.s32 s20, $0x0;
	[sflag:s12] =	ssyncset.done $0x0  }
0x20: {  	s21 =	simm.s32 @!p0 $0x3;
	[sflag:s12] =	ssyncadd.s32 $0xFFFF8000  }
0x21: {  	_ =	swait.ge @!p0 [sflag:s21], $0x800  }
0x22: {  	[sflag:s21] =	ssyncset.done @!p0 $0x0  }
0x23: {  	[sflag:s21] =	ssyncadd.s32 @!p0 $0xFFFFF800  }
0x24: {  	v0 =	vld [tilespmem:$0x0];
	_ =	sdelay $0x4  }
0x25: {  	v1 =	vshll.u32 v0, $0x3  }
0x26: {  	v2 =	vld [tilespmem:$0x10];
	v0 =	vand.u32 $0x7F, v0;
	v1 =	vand.u32 $0xFFFFFC00, v1  }
0x27: {  	v0 =	vor.u32 v0, v1;
	_ =	sdelay $0x3  }
0x28: {  	v56 =	vld [tilespmem:$0x20];
	v55 =	vshll.u32 v2, $0x3  }
0x29: {  	v2 =	vand.u32 $0x7F, v2;
	v1 =	vand.u32 $0xFFFFFC00, v55;
	v0 =	vld.idx.msk [tilespmem:v0+s10+$0x0], $0xffff  }
0x2a: {  	v1 =	vor.u32 v2, v1;
	_ =	sdelay $0x3  }
0x2b: {  	v3 =	vld [tilespmem:$0x30];
	v57 =	vshll.u32 v56, $0x3;
	[tilespmem:$0x10080] =	vst v0  }
0x2c: {  	v2 =	vand.u32 $0x7F, v56;
	v0 =	vld.idx.msk [tilespmem:v1+s10+$0x0], $0xffff;
	v1 =	vand.u32 $0xFFFFFC00, v57  }
0x2d: {  	v1 =	vor.u32 v2, v1;
	_ =	sdelay $0x3  }
0x2e: {  	v59 =	vld [tilespmem:$0x0];
	v58 =	vshll.u32 v3, $0x3;
	[tilespmem:$0x10090] =	vst v0  }
0x2f: {  	v3 =	vand.u32 $0x7F, v3;
	v0 =	vand.u32 $0xFFFFFC00, v58;
	v1 =	vld.idx.msk [tilespmem:v1+s10+$0x0], $0xffff  }
0x30: {  	v0 =	vor.u32 v3, v0;
	_ =	sdelay $0x2  }
0x31: {  	v60 =	vshll.u32 v59, $0x3  }
0x32: {  	v63 =	vld [tilespmem:$0x10];
	v61 =	vand.u32 $0x7F, v59;
	v62 =	vand.u32 $0xFFFFFC00, v60;
	[tilespmem:$0x100A0] =	vst v1  }
0x33: {  	v1 =	vor.u32 v62, v61;
	v0 =	vld.idx.msk [tilespmem:v0+s10+$0x0], $0xffff  }
0x34: {  	v1 =	vor.u32 $0x80, v1;
	_ =	sdelay $0x2  }
0x35: {  	v5 =	vshll.u32 v63, $0x3  }
0x36: {  	v7 =	vld [tilespmem:$0x20];
	v6 =	vand.u32 $0x7F, v63;
	v2 =	vand.u32 $0xFFFFFC00, v5;
	[tilespmem:$0x100B0] =	vst v0  }
0x37: {  	v0 =	vor.u32 v2, v6;
	v1 =	vld.idx.msk [tilespmem:v1+s10+$0x0], $0xffff  }
0x38: {  	v0 =	vor.u32 $0x80, v0;
	_ =	sdelay $0x2  }
0x39: {  	v8 =	vshll.u32 v7, $0x3  }
0x3a: {  	v10 =	vld [tilespmem:$0x30];
	v9 =	vand.u32 $0x7F, v7;
	v2 =	vand.u32 $0xFFFFFC00, v8;
	[tilespmem:$0x10100] =	vst v1  }
0x3b: {  	v1 =	vor.u32 v2, v9;
	v0 =	vld.idx.msk [tilespmem:v0+s10+$0x0], $0xffff  }
0x3c: {  	v1 =	vor.u32 $0x80, v1;
	_ =	sdelay $0x2  }
0x3d: {  	v11 =	vshll.u32 v10, $0x3  }
0x3e: {  	v13 =	vld [tilespmem:$0x0];
	v12 =	vand.u32 $0x7F, v10;
	v2 =	vand.u32 $0xFFFFFC00, v11;
	[tilespmem:$0x10110] =	vst v0  }
0x3f: {  	v0 =	vor.u32 v2, v12;
	v1 =	vld.idx.msk [tilespmem:v1+s10+$0x0], $0xffff  }
0x40: {  	v0 =	vor.u32 $0x80, v0;
	_ =	sdelay $0x2  }
0x41: {  	v14 =	vshll.u32 v13, $0x3  }
0x42: {  	v16 =	vld [tilespmem:$0x10];
	v15 =	vand.u32 $0x7F, v13;
	v2 =	vand.u32 $0xFFFFFC00, v14;
	[tilespmem:$0x10120] =	vst v1  }
0x43: {  	v1 =	vor.u32 v2, v15;
	v0 =	vld.idx.msk [tilespmem:v0+s10+$0x0], $0xffff  }
0x44: {  	v1 =	vor.u32 $0x100, v1;
	_ =	sdelay $0x2  }
0x45: {  	v17 =	vshll.u32 v16, $0x3  }
0x46: {  	v19 =	vld [tilespmem:$0x20];
	v18 =	vand.u32 $0x7F, v16;
	v2 =	vand.u32 $0xFFFFFC00, v17;
	[tilespmem:$0x10130] =	vst v0  }
0x47: {  	v0 =	vor.u32 v2, v18;
	v1 =	vld.idx.msk [tilespmem:v1+s10+$0x0], $0xffff  }
0x48: {  	v0 =	vor.u32 $0x100, v0;
	_ =	sdelay $0x2  }
0x49: {  	v20 =	vshll.u32 v19, $0x3  }
0x4a: {  	v22 =	vld [tilespmem:$0x30];
	v21 =	vand.u32 $0x7F, v19;
	v2 =	vand.u32 $0xFFFFFC00, v20;
	[tilespmem:$0x10180] =	vst v1  }
0x4b: {  	v1 =	vor.u32 v2, v21;
	v0 =	vld.idx.msk [tilespmem:v0+s10+$0x0], $0xffff  }
0x4c: {  	v1 =	vor.u32 $0x100, v1;
	_ =	sdelay $0x2  }
0x4d: {  	v23 =	vshll.u32 v22, $0x3  }
0x4e: {  	v25 =	vld [tilespmem:$0x0];
	v24 =	vand.u32 $0x7F, v22;
	v2 =	vand.u32 $0xFFFFFC00, v23;
	[tilespmem:$0x10190] =	vst v0  }
0x4f: {  	v0 =	vor.u32 v2, v24;
	v1 =	vld.idx.msk [tilespmem:v1+s10+$0x0], $0xffff  }
0x50: {  	v0 =	vor.u32 $0x100, v0;
	_ =	sdelay $0x2  }
0x51: {  	v26 =	vshll.u32 v25, $0x3  }
0x52: {  	v28 =	vld [tilespmem:$0x10];
	v27 =	vand.u32 $0x7F, v25;
	v2 =	vand.u32 $0xFFFFFC00, v26;
	[tilespmem:$0x101A0] =	vst v1  }
0x53: {  	v1 =	vor.u32 v2, v27;
	v0 =	vld.idx.msk [tilespmem:v0+s10+$0x0], $0xffff  }
0x54: {  	v1 =	vor.u32 $0x180, v1;
	_ =	sdelay $0x2  }
0x55: {  	v29 =	vshll.u32 v28, $0x3  }
0x56: {  	v31 =	vld [tilespmem:$0x20];
	v30 =	vand.u32 $0x7F, v28;
	v2 =	vand.u32 $0xFFFFFC00, v29;
	[tilespmem:$0x101B0] =	vst v0  }
0x57: {  	v0 =	vor.u32 v2, v30;
	v1 =	vld.idx.msk [tilespmem:v1+s10+$0x0], $0xffff  }
0x58: {  	v0 =	vor.u32 $0x180, v0;
	_ =	sdelay $0x2  }
0x59: {  	v32 =	vshll.u32 v31, $0x3  }
0x5a: {  	v34 =	vld [tilespmem:$0x30];
	v33 =	vand.u32 $0x7F, v31;
	v2 =	vand.u32 $0xFFFFFC00, v32;
	[tilespmem:$0x10200] =	vst v1  }
0x5b: {  	v1 =	vor.u32 v2, v33;
	v0 =	vld.idx.msk [tilespmem:v0+s10+$0x0], $0xffff  }
0x5c: {  	v1 =	vor.u32 $0x180, v1;
	_ =	sdelay $0x2  }
0x5d: {  	v35 =	vshll.u32 v34, $0x3  }
0x5e: {  	v37 =	vld [tilespmem:$0x0];
	v36 =	vand.u32 $0x7F, v34;
	v2 =	vand.u32 $0xFFFFFC00, v35;
	[tilespmem:$0x10210] =	vst v0  }
0x5f: {  	v0 =	vor.u32 v2, v36;
	v1 =	vld.idx.msk [tilespmem:v1+s10+$0x0], $0xffff  }
0x60: {  	v0 =	vor.u32 $0x180, v0;
	_ =	sdelay $0x2  }
0x61: {  	v38 =	vshll.u32 v37, $0x3  }
0x62: {  	v40 =	vld [tilespmem:$0x10];
	v39 =	vand.u32 $0x7F, v37;
	v2 =	vand.u32 $0xFFFFFC00, v38;
	[tilespmem:$0x10220] =	vst v1  }
0x63: {  	v1 =	vor.u32 v2, v39;
	v0 =	vld.idx.msk [tilespmem:v0+s10+$0x0], $0xffff  }
0x64: {  	v1 =	vor.u32 $0x200, v1;
	_ =	sdelay $0x2  }
0x65: {  	v41 =	vshll.u32 v40, $0x3  }
0x66: {  	v43 =	vld [tilespmem:$0x20];
	v42 =	vand.u32 $0x7F, v40;
	v2 =	vand.u32 $0xFFFFFC00, v41;
	[tilespmem:$0x10230] =	vst v0  }
0x67: {  	v0 =	vor.u32 v2, v42;
	v1 =	vld.idx.msk [tilespmem:v1+s10+$0x0], $0xffff  }
0x68: {  	v0 =	vor.u32 $0x200, v0;
	_ =	sdelay $0x2  }
0x69: {  	v44 =	vshll.u32 v43, $0x3  }
0x6a: {  	v46 =	vld [tilespmem:$0x30];
	v45 =	vand.u32 $0x7F, v43;
	v2 =	vand.u32 $0xFFFFFC00, v44;
	[tilespmem:$0x10280] =	vst v1  }
0x6b: {  	v1 =	vor.u32 v2, v45;
	v0 =	vld.idx.msk [tilespmem:v0+s10+$0x0], $0xffff  }
0x6c: {  	v1 =	vor.u32 $0x200, v1;
	_ =	sdelay $0x2  }
0x6d: {  	v47 =	vshll.u32 v46, $0x3  }
0x6e: {  	v49 =	vld [tilespmem:$0x0];
	v48 =	vand.u32 $0x7F, v46;
	v2 =	vand.u32 $0xFFFFFC00, v47;
	[tilespmem:$0x10290] =	vst v0  }
0x6f: {  	v0 =	vor.u32 v2, v48;
	v1 =	vld.idx.msk [tilespmem:v1+s10+$0x0], $0xffff  }
0x70: {  	v0 =	vor.u32 $0x200, v0;
	_ =	sdelay $0x2  }
0x71: {  	v50 =	vshll.u32 v49, $0x3  }
0x72: {  	v52 =	vld [tilespmem:$0x10];
	v51 =	vand.u32 $0x7F, v49;
	v2 =	vand.u32 $0xFFFFFC00, v50;
	[tilespmem:$0x102A0] =	vst v1  }
0x73: {  	v1 =	vor.u32 v2, v51;
	v0 =	vld.idx.msk [tilespmem:v0+s10+$0x0], $0xffff  }
0x74: {  	v1 =	vor.u32 $0x280, v1;
	_ =	sdelay $0x2  }
0x75: {  	v53 =	vshll.u32 v52, $0x3  }
0x76: {  	v54 =	vand.u32 $0x7F, v52;
	v55 =	vld [tilespmem:$0x20];
	v2 =	vand.u32 $0xFFFFFC00, v53;
	[tilespmem:$0x102B0] =	vst v0  }
0x77: {  	v0 =	vor.u32 v2, v54;
	v1 =	vld.idx.msk [tilespmem:v1+s10+$0x0], $0xffff  }
0x78: {  	v0 =	vor.u32 $0x280, v0;
	_ =	sdelay $0x2  }
0x79: {  	v56 =	vshll.u32 v55, $0x3  }
0x7a: {  	v57 =	vand.u32 $0x7F, v55;
	v58 =	vld [tilespmem:$0x30];
	v2 =	vand.u32 $0xFFFFFC00, v56;
	[tilespmem:$0x10300] =	vst v1  }
0x7b: {  	v1 =	vor.u32 v2, v57;
	v0 =	vld.idx.msk [tilespmem:v0+s10+$0x0], $0xffff  }
0x7c: {  	v1 =	vor.u32 $0x280, v1;
	_ =	sdelay $0x2  }
0x7d: {  	v59 =	vshll.u32 v58, $0x3  }
0x7e: {  	v60 =	vand.u32 $0x7F, v58;
	v61 =	vld [tilespmem:$0x0];
	v2 =	vand.u32 $0xFFFFFC00, v59;
	[tilespmem:$0x10310] =	vst v0  }
0x7f: {  	v0 =	vor.u32 v2, v60;
	v1 =	vld.idx.msk [tilespmem:v1+s10+$0x0], $0xffff  }
0x80: {  	v0 =	vor.u32 $0x280, v0;
	_ =	sdelay $0x2  }
0x81: {  	v62 =	vshll.u32 v61, $0x3  }
0x82: {  	v63 =	vand.u32 $0x7F, v61;
	v6 =	vld [tilespmem:$0x10];
	v2 =	vand.u32 $0xFFFFFC00, v62;
	[tilespmem:$0x10320] =	vst v1  }
0x83: {  	v1 =	vor.u32 v2, v63;
	v0 =	vld.idx.msk [tilespmem:v0+s10+$0x0], $0xffff  }
0x84: {  	v1 =	vor.u32 $0x300, v1;
	_ =	sdelay $0x2  }
0x85: {  	v7 =	vshll.u32 v6, $0x3  }
0x86: {  	v8 =	vand.u32 $0x7F, v6;
	v9 =	vld [tilespmem:$0x20];
	v2 =	vand.u32 $0xFFFFFC00, v7;
	[tilespmem:$0x10330] =	vst v0  }
0x87: {  	v0 =	vor.u32 v2, v8;
	v1 =	vld.idx.msk [tilespmem:v1+s10+$0x0], $0xffff  }
0x88: {  	v0 =	vor.u32 $0x300, v0;
	_ =	sdelay $0x2  }
0x89: {  	v10 =	vshll.u32 v9, $0x3  }
0x8a: {  	v11 =	vand.u32 $0x7F, v9;
	v12 =	vld [tilespmem:$0x30];
	v2 =	vand.u32 $0xFFFFFC00, v10;
	[tilespmem:$0x10380] =	vst v1  }
0x8b: {  	v1 =	vor.u32 v2, v11;
	v0 =	vld.idx.msk [tilespmem:v0+s10+$0x0], $0xffff  }
0x8c: {  	v1 =	vor.u32 $0x300, v1;
	_ =	sdelay $0x2  }
0x8d: {  	v13 =	vshll.u32 v12, $0x3  }
0x8e: {  	v14 =	vand.u32 $0x7F, v12;
	v15 =	vld [tilespmem:$0x0];
	v2 =	vand.u32 $0xFFFFFC00, v13;
	[tilespmem:$0x10390] =	vst v0  }
0x8f: {  	v0 =	vor.u32 v2, v14;
	v1 =	vld.idx.msk [tilespmem:v1+s10+$0x0], $0xffff  }
0x90: {  	v0 =	vor.u32 $0x300, v0;
	_ =	sdelay $0x2  }
0x91: {  	v16 =	vshll.u32 v15, $0x3  }
0x92: {  	v17 =	vand.u32 $0x7F, v15;
	v18 =	vld [tilespmem:$0x10];
	v2 =	vand.u32 $0xFFFFFC00, v16;
	[tilespmem:$0x103A0] =	vst v1  }
0x93: {  	v1 =	vor.u32 v2, v17;
	v0 =	vld.idx.msk [tilespmem:v0+s10+$0x0], $0xffff  }
0x94: {  	v1 =	vor.u32 $0x380, v1;
	_ =	sdelay $0x2  }
0x95: {  	v19 =	vshll.u32 v18, $0x3  }
0x96: {  	v20 =	vand.u32 $0x7F, v18;
	v21 =	vld [tilespmem:$0x20];
	v2 =	vand.u32 $0xFFFFFC00, v19;
	[tilespmem:$0x103B0] =	vst v0  }
0x97: {  	v0 =	vor.u32 v2, v20;
	v1 =	vld.idx.msk [tilespmem:v1+s10+$0x0], $0xffff  }
0x98: {  	v0 =	vor.u32 $0x380, v0;
	_ =	sdelay $0x2  }
0x99: {  	v22 =	vshll.u32 v21, $0x3  }
0x9a: {  	v23 =	vand.u32 $0x7F, v21;
	v24 =	vld [tilespmem:$0x30];
	v2 =	vand.u32 $0xFFFFFC00, v22;
	[tilespmem:$0x10400] =	vst v1  }
0x9b: {  	v1 =	vor.u32 v2, v23;
	v0 =	vld.idx.msk [tilespmem:v0+s10+$0x0], $0xffff  }
0x9c: {  	v1 =	vor.u32 $0x380, v1;
	_ =	sdelay $0x2  }
0x9d: {  	v25 =	vshll.u32 v24, $0x3  }
0x9e: {  	v26 =	vand.u32 $0x7F, v24;
	v27 =	vld [tilespmem:$0x0];
	v2 =	vand.u32 $0xFFFFFC00, v25;
	[tilespmem:$0x10410] =	vst v0  }
0x9f: {  	v0 =	vor.u32 v2, v26;
	v1 =	vld.idx.msk [tilespmem:v1+s10+$0x0], $0xffff  }
0xa0: {  	v0 =	vor.u32 $0x380, v0;
	_ =	sdelay $0x2  }
0xa1: {  	v28 =	vshll.u32 v27, $0x3  }
0xa2: {  	v29 =	vand.u32 $0x7F, v27;
	v30 =	vld [tilespmem:$0x10];
	v2 =	vand.u32 $0xFFFFFC00, v28;
	[tilespmem:$0x10420] =	vst v1  }
0xa3: {  	v1 =	vor.u32 v29, v2;
	v0 =	vld.idx.msk [tilespmem:v0+s10+$0x0], $0xffff  }
0xa4: {  	v1 =	vadd.s32 $0x4000, v1;
	_ =	sdelay $0x2  }
0xa5: {  	v31 =	vshll.u32 v30, $0x3  }
0xa6: {  	v32 =	vand.u32 $0x7F, v30;
	v33 =	vld [tilespmem:$0x20];
	v2 =	vand.u32 $0xFFFFFC00, v31;
	[tilespmem:$0x10430] =	vst v0  }
0xa7: {  	v0 =	vor.u32 v32, v2;
	v1 =	vld.idx.msk [tilespmem:v1+s10+$0x0], $0xffff  }
0xa8: {  	v0 =	vadd.s32 $0x4000, v0;
	_ =	sdelay $0x2  }
0xa9: {  	v34 =	vshll.u32 v33, $0x3  }
0xaa: {  	v35 =	vand.u32 $0x7F, v33;
	v36 =	vld [tilespmem:$0x30];
	v2 =	vand.u32 $0xFFFFFC00, v34;
	[tilespmem:$0x10480] =	vst v1  }
0xab: {  	v1 =	vor.u32 v35, v2;
	v0 =	vld.idx.msk [tilespmem:v0+s10+$0x0], $0xffff  }
0xac: {  	v1 =	vadd.s32 $0x4000, v1;
	_ =	sdelay $0x2  }
0xad: {  	v37 =	vshll.u32 v36, $0x3  }
0xae: {  	v38 =	vand.u32 $0x7F, v36;
	v39 =	vld [tilespmem:$0x0];
	v2 =	vand.u32 $0xFFFFFC00, v37;
	[tilespmem:$0x10490] =	vst v0  }
0xaf: {  	v0 =	vor.u32 v38, v2;
	v1 =	vld.idx.msk [tilespmem:v1+s10+$0x0], $0xffff  }
0xb0: {  	v0 =	vadd.s32 $0x4000, v0;
	_ =	sdelay $0x2  }
0xb1: {  	v40 =	vshll.u32 v39, $0x3  }
0xb2: {  	v41 =	vand.u32 $0x7F, v39;
	v42 =	vld [tilespmem:$0x10];
	v2 =	vand.u32 $0xFFFFFC00, v40;
	[tilespmem:$0x104A0] =	vst v1  }
0xb3: {  	v1 =	vor.u32 v41, v2;
	v0 =	vld.idx.msk [tilespmem:v0+s10+$0x0], $0xffff  }
0xb4: {  	v1 =	vadd.s32 $0x4080, v1;
	_ =	sdelay $0x2  }
0xb5: {  	v43 =	vshll.u32 v42, $0x3  }
0xb6: {  	v44 =	vand.u32 $0x7F, v42;
	v45 =	vld [tilespmem:$0x20];
	v2 =	vand.u32 $0xFFFFFC00, v43;
	[tilespmem:$0x104B0] =	vst v0  }
0xb7: {  	v0 =	vor.u32 v44, v2;
	v1 =	vld.idx.msk [tilespmem:v1+s10+$0x0], $0xffff  }
0xb8: {  	v0 =	vadd.s32 $0x4080, v0;
	_ =	sdelay $0x2  }
0xb9: {  	v46 =	vshll.u32 v45, $0x3  }
0xba: {  	v47 =	vand.u32 $0x7F, v45;
	v48 =	vld [tilespmem:$0x30];
	v2 =	vand.u32 $0xFFFFFC00, v46;
	[tilespmem:$0x10500] =	vst v1  }
0xbb: {  	v1 =	vor.u32 v47, v2;
	v0 =	vld.idx.msk [tilespmem:v0+s10+$0x0], $0xffff  }
0xbc: {  	v1 =	vadd.s32 $0x4080, v1;
	_ =	sdelay $0x2  }
0xbd: {  	v49 =	vshll.u32 v48, $0x3  }
0xbe: {  	v50 =	vand.u32 $0x7F, v48;
	v51 =	vld [tilespmem:$0x0];
	v2 =	vand.u32 $0xFFFFFC00, v49;
	[tilespmem:$0x10510] =	vst v0  }
0xbf: {  	v0 =	vor.u32 v50, v2;
	v1 =	vld.idx.msk [tilespmem:v1+s10+$0x0], $0xffff  }
0xc0: {  	v0 =	vadd.s32 $0x4080, v0;
	_ =	sdelay $0x2  }
0xc1: {  	v52 =	vshll.u32 v51, $0x3  }
0xc2: {  	v53 =	vand.u32 $0x7F, v51;
	v54 =	vld [tilespmem:$0x10];
	v2 =	vand.u32 $0xFFFFFC00, v52;
	[tilespmem:$0x10520] =	vst v1  }
0xc3: {  	v1 =	vor.u32 v53, v2;
	v0 =	vld.idx.msk [tilespmem:v0+s10+$0x0], $0xffff  }
0xc4: {  	v1 =	vadd.s32 $0x4100, v1;
	_ =	sdelay $0x2  }
0xc5: {  	v55 =	vshll.u32 v54, $0x3  }
0xc6: {  	v56 =	vand.u32 $0x7F, v54;
	v57 =	vld [tilespmem:$0x20];
	v2 =	vand.u32 $0xFFFFFC00, v55;
	[tilespmem:$0x10530] =	vst v0  }
0xc7: {  	v0 =	vor.u32 v56, v2;
	v1 =	vld.idx.msk [tilespmem:v1+s10+$0x0], $0xffff  }
0xc8: {  	v0 =	vadd.s32 $0x4100, v0;
	_ =	sdelay $0x2  }
0xc9: {  	v58 =	vshll.u32 v57, $0x3  }
0xca: {  	v59 =	vand.u32 $0x7F, v57;
	v60 =	vld [tilespmem:$0x30];
	v2 =	vand.u32 $0xFFFFFC00, v58;
	[tilespmem:$0x10580] =	vst v1  }
0xcb: {  	v1 =	vor.u32 v59, v2;
	v0 =	vld.idx.msk [tilespmem:v0+s10+$0x0], $0xffff  }
0xcc: {  	v1 =	vadd.s32 $0x4100, v1;
	_ =	sdelay $0x2  }
0xcd: {  	v61 =	vshll.u32 v60, $0x3  }
0xce: {  	v62 =	vand.u32 $0x7F, v60;
	v63 =	vld [tilespmem:$0x0];
	v2 =	vand.u32 $0xFFFFFC00, v61;
	[tilespmem:$0x10590] =	vst v0  }
0xcf: {  	v0 =	vor.u32 v62, v2;
	v1 =	vld.idx.msk [tilespmem:v1+s10+$0x0], $0xffff  }
0xd0: {  	v0 =	vadd.s32 $0x4100, v0;
	_ =	sdelay $0x2  }
0xd1: {  	v5 =	vshll.u32 v63, $0x3  }
0xd2: {  	v7 =	vld [tilespmem:$0x10];
	v6 =	vand.u32 $0x7F, v63;
	v2 =	vand.u32 $0xFFFFFC00, v5;
	[tilespmem:$0x105A0] =	vst v1  }
0xd3: {  	v1 =	vor.u32 v6, v2;
	v0 =	vld.idx.msk [tilespmem:v0+s10+$0x0], $0xffff  }
0xd4: {  	v1 =	vadd.s32 $0x4180, v1;
	_ =	sdelay $0x2  }
0xd5: {  	v8 =	vshll.u32 v7, $0x3  }
0xd6: {  	v9 =	vand.u32 $0x7F, v7;
	v10 =	vld [tilespmem:$0x20];
	v2 =	vand.u32 $0xFFFFFC00, v8;
	[tilespmem:$0x105B0] =	vst v0  }
0xd7: {  	v0 =	vor.u32 v9, v2;
	v1 =	vld.idx.msk [tilespmem:v1+s10+$0x0], $0xffff  }
0xd8: {  	v0 =	vadd.s32 $0x4180, v0;
	_ =	sdelay $0x2  }
0xd9: {  	v11 =	vshll.u32 v10, $0x3  }
0xda: {  	v12 =	vand.u32 $0x7F, v10;
	v13 =	vld [tilespmem:$0x30];
	v2 =	vand.u32 $0xFFFFFC00, v11;
	[tilespmem:$0x10600] =	vst v1  }
0xdb: {  	v1 =	vor.u32 v12, v2;
	v0 =	vld.idx.msk [tilespmem:v0+s10+$0x0], $0xffff  }
0xdc: {  	v1 =	vadd.s32 $0x4180, v1;
	_ =	sdelay $0x2  }
0xdd: {  	v14 =	vshll.u32 v13, $0x3  }
0xde: {  	v15 =	vand.u32 $0x7F, v13;
	v16 =	vld [tilespmem:$0x0];
	v2 =	vand.u32 $0xFFFFFC00, v14;
	[tilespmem:$0x10610] =	vst v0  }
0xdf: {  	v0 =	vor.u32 v15, v2;
	v1 =	vld.idx.msk [tilespmem:v1+s10+$0x0], $0xffff  }
0xe0: {  	v0 =	vadd.s32 $0x4180, v0;
	_ =	sdelay $0x2  }
0xe1: {  	v17 =	vshll.u32 v16, $0x3  }
0xe2: {  	v18 =	vand.u32 $0x7F, v16;
	v19 =	vld [tilespmem:$0x10];
	v2 =	vand.u32 $0xFFFFFC00, v17;
	[tilespmem:$0x10620] =	vst v1  }
0xe3: {  	v1 =	vor.u32 v18, v2;
	v0 =	vld.idx.msk [tilespmem:v0+s10+$0x0], $0xffff  }
0xe4: {  	v1 =	vadd.s32 $0x4200, v1;
	_ =	sdelay $0x2  }
0xe5: {  	v20 =	vshll.u32 v19, $0x3  }
0xe6: {  	v21 =	vand.u32 $0x7F, v19;
	v22 =	vld [tilespmem:$0x20];
	v2 =	vand.u32 $0xFFFFFC00, v20;
	[tilespmem:$0x10630] =	vst v0  }
0xe7: {  	v0 =	vor.u32 v21, v2;
	v1 =	vld.idx.msk [tilespmem:v1+s10+$0x0], $0xffff  }
0xe8: {  	v0 =	vadd.s32 $0x4200, v0;
	_ =	sdelay $0x2  }
0xe9: {  	v23 =	vshll.u32 v22, $0x3  }
0xea: {  	v24 =	vand.u32 $0x7F, v22;
	v25 =	vld [tilespmem:$0x30];
	v2 =	vand.u32 $0xFFFFFC00, v23;
	[tilespmem:$0x10680] =	vst v1  }
0xeb: {  	v1 =	vor.u32 v24, v2;
	v0 =	vld.idx.msk [tilespmem:v0+s10+$0x0], $0xffff  }
0xec: {  	v1 =	vadd.s32 $0x4200, v1;
	_ =	sdelay $0x2  }
0xed: {  	v26 =	vshll.u32 v25, $0x3  }
0xee: {  	v27 =	vand.u32 $0x7F, v25;
	v28 =	vld [tilespmem:$0x0];
	v2 =	vand.u32 $0xFFFFFC00, v26;
	[tilespmem:$0x10690] =	vst v0  }
0xef: {  	v0 =	vor.u32 v27, v2;
	v1 =	vld.idx.msk [tilespmem:v1+s10+$0x0], $0xffff  }
0xf0: {  	v0 =	vadd.s32 $0x4200, v0;
	_ =	sdelay $0x2  }
0xf1: {  	v29 =	vshll.u32 v28, $0x3  }
0xf2: {  	v30 =	vand.u32 $0x7F, v28;
	v31 =	vld [tilespmem:$0x10];
	v2 =	vand.u32 $0xFFFFFC00, v29;
	[tilespmem:$0x106A0] =	vst v1  }
0xf3: {  	v1 =	vor.u32 v30, v2;
	v0 =	vld.idx.msk [tilespmem:v0+s10+$0x0], $0xffff  }
0xf4: {  	v1 =	vadd.s32 $0x4280, v1;
	_ =	sdelay $0x2  }
0xf5: {  	v32 =	vshll.u32 v31, $0x3  }
0xf6: {  	v33 =	vand.u32 $0x7F, v31;
	v34 =	vld [tilespmem:$0x20];
	v2 =	vand.u32 $0xFFFFFC00, v32;
	[tilespmem:$0x106B0] =	vst v0  }
0xf7: {  	v0 =	vor.u32 v33, v2;
	v1 =	vld.idx.msk [tilespmem:v1+s10+$0x0], $0xffff  }
0xf8: {  	v0 =	vadd.s32 $0x4280, v0;
	_ =	sdelay $0x2  }
0xf9: {  	v35 =	vshll.u32 v34, $0x3  }
0xfa: {  	v36 =	vand.u32 $0x7F, v34;
	v37 =	vld [tilespmem:$0x30];
	v2 =	vand.u32 $0xFFFFFC00, v35;
	[tilespmem:$0x10700] =	vst v1  }
0xfb: {  	v1 =	vor.u32 v36, v2;
	v0 =	vld.idx.msk [tilespmem:v0+s10+$0x0], $0xffff  }
0xfc: {  	v1 =	vadd.s32 $0x4280, v1;
	_ =	sdelay $0x2  }
0xfd: {  	v38 =	vshll.u32 v37, $0x3  }
0xfe: {  	v39 =	vand.u32 $0x7F, v37;
	v40 =	vld [tilespmem:$0x0];
	v2 =	vand.u32 $0xFFFFFC00, v38;
	[tilespmem:$0x10710] =	vst v0  }
0xff: {  	v0 =	vor.u32 v39, v2;
	v1 =	vld.idx.msk [tilespmem:v1+s10+$0x0], $0xffff  }
0x100: {  	v0 =	vadd.s32 $0x4280, v0;
	_ =	sdelay $0x2  }
0x101: {  	v41 =	vshll.u32 v40, $0x3  }
0x102: {  	v42 =	vand.u32 $0x7F, v40;
	v43 =	vld [tilespmem:$0x10];
	v2 =	vand.u32 $0xFFFFFC00, v41;
	[tilespmem:$0x10720] =	vst v1  }
0x103: {  	v1 =	vor.u32 v42, v2;
	v0 =	vld.idx.msk [tilespmem:v0+s10+$0x0], $0xffff  }
0x104: {  	v1 =	vadd.s32 $0x4300, v1;
	_ =	sdelay $0x2  }
0x105: {  	v44 =	vshll.u32 v43, $0x3  }
0x106: {  	v45 =	vand.u32 $0x7F, v43;
	v46 =	vld [tilespmem:$0x20];
	v2 =	vand.u32 $0xFFFFFC00, v44;
	[tilespmem:$0x10730] =	vst v0  }
0x107: {  	v0 =	vor.u32 v45, v2;
	v1 =	vld.idx.msk [tilespmem:v1+s10+$0x0], $0xffff  }
0x108: {  	v0 =	vadd.s32 $0x4300, v0;
	_ =	sdelay $0x2  }
0x109: {  	v47 =	vshll.u32 v46, $0x3  }
0x10a: {  	v48 =	vand.u32 $0x7F, v46;
	v49 =	vld [tilespmem:$0x30];
	v2 =	vand.u32 $0xFFFFFC00, v47;
	[tilespmem:$0x10780] =	vst v1  }
0x10b: {  	v1 =	vor.u32 v48, v2;
	v0 =	vld.idx.msk [tilespmem:v0+s10+$0x0], $0xffff  }
0x10c: {  	v1 =	vadd.s32 $0x4300, v1;
	_ =	sdelay $0x2  }
0x10d: {  	v50 =	vshll.u32 v49, $0x3  }
0x10e: {  	v51 =	vand.u32 $0x7F, v49;
	v52 =	vld [tilespmem:$0x0];
	v2 =	vand.u32 $0xFFFFFC00, v50;
	[tilespmem:$0x10790] =	vst v0  }
0x10f: {  	v0 =	vor.u32 v51, v2;
	v1 =	vld.idx.msk [tilespmem:v1+s10+$0x0], $0xffff  }
0x110: {  	v0 =	vadd.s32 $0x4300, v0;
	_ =	sdelay $0x2  }
0x111: {  	v53 =	vshll.u32 v52, $0x3  }
0x112: {  	v54 =	vand.u32 $0x7F, v52;
	v55 =	vld [tilespmem:$0x10];
	v2 =	vand.u32 $0xFFFFFC00, v53;
	[tilespmem:$0x107A0] =	vst v1  }
0x113: {  	v1 =	vor.u32 v54, v2;
	v0 =	vld.idx.msk [tilespmem:v0+s10+$0x0], $0xffff  }
0x114: {  	v1 =	vadd.s32 $0x4380, v1;
	_ =	sdelay $0x2  }
0x115: {  	v56 =	vshll.u32 v55, $0x3  }
0x116: {  	v57 =	vand.u32 $0x7F, v55;
	v58 =	vld [tilespmem:$0x20];
	v2 =	vand.u32 $0xFFFFFC00, v56;
	[tilespmem:$0x107B0] =	vst v0  }
0x117: {  	v0 =	vor.u32 v57, v2;
	v1 =	vld.idx.msk [tilespmem:v1+s10+$0x0], $0xffff  }
0x118: {  	v0 =	vadd.s32 $0x4380, v0;
	_ =	sdelay $0x2  }
0x119: {  	v59 =	vshll.u32 v58, $0x3  }
0x11a: {  	v60 =	vand.u32 $0x7F, v58;
	v61 =	vld [tilespmem:$0x30];
	v2 =	vand.u32 $0xFFFFFC00, v59;
	[tilespmem:$0x10800] =	vst v1  }
0x11b: {  	v1 =	vor.u32 v60, v2;
	v0 =	vld.idx.msk [tilespmem:v0+s10+$0x0], $0xffff  }
0x11c: {  	v1 =	vadd.s32 $0x4380, v1;
	_ =	sdelay $0x2  }
0x11d: {  	v62 =	vshll.u32 v61, $0x3  }
0x11e: {  	v63 =	vand.u32 $0x7F, v61;
	v2 =	vand.u32 $0xFFFFFC00, v62;
	[tilespmem:$0x10810] =	vst v0  }
0x11f: {  	v0 =	vor.u32 v63, v2;
	v1 =	vld.idx.msk [tilespmem:v1+s10+$0x0], $0xffff  }
0x120: {  	v0 =	vadd.s32 $0x4380, v0;
	_ =	sdelay $0x3  }
0x121: {  	[tilespmem:$0x10820] =	vst v1  }
0x122: {  	v0 =	vld.idx.msk [tilespmem:v0+s10+$0x0], $0xffff  }
0x123: {  	p1 =	sne.s32 s20, $0x1E00  }
.Ltmp2:
0x124: {  	_ = 	snop;
	(pc) =	sbr.rel @p1 .LBB2_4-.Ltmp2, $3  }
0x125: {  	_ =	sdelay $0x1  }
0x126: {  	s21 =	sadd.s32 s20, s7;
	[tilespmem:$0x10830] =	vst v0  }
0x127: {  	[hbm4b:s21+s3] =	stream.linear.scatter [tilespmem:s13], [sflag:$0x3], $0x800, $0x38;
	[tilespmem:$0x11080] =	vst v63  }
.Ltmp3:
0x128: {  	(pc) =	sbr.rel .LBB2_5-.Ltmp3, $4  }
0x129: {  	_ = 	snop  }
0x12a: {  	_ =	swait.ge [sflag:s14], $0x8000  }
0x12b: {  	[sflag:s14] =	ssyncset.done $0x0  }
0x12c: {  	[sflag:s14] =	ssyncadd.s32 $0xFFFF8000  }
.LBB2_4:
.Ltmp4:
0x12d: {  	s22 =	sadd.s32 $0xFFFFF000, s19;
	(pc) =	sbr.rel @p0 .LBB2_6-.Ltmp4, $4  }
0x12e: {  	[tilespmem:s10], [sflag:$0x1] =	stream.linear.gather [hbm4b:s22+s3], $0x8000, $0x38;
	[tilespmem:$0x11080] =	vst v63  }
0x12f: {  	_ =	swait.ge [sflag:s14], $0x8000  }
0x130: {  	[sflag:s14] =	ssyncset.done $0x0  }
0x131: {  	[sflag:s14] =	ssyncadd.s32 $0xFFFF8000  }
.LBB2_5:
0x132: {  	_ =	swait.ge [sflag:s15], $0x800  }
0x133: {  	[sflag:s15] =	ssyncset.done $0x0  }
0x134: {  	[sflag:s15] =	ssyncadd.s32 $0xFFFFF800  }
.LBB2_6:
0x135: {  	v0 =	vld [tilespmem:$0x0];
	_ =	sdelay $0x4  }
0x136: {  	v1 =	vshll.u32 v0, $0x3  }
0x137: {  	v2 =	vld [tilespmem:$0x10];
	v0 =	vand.u32 $0x7F, v0;
	v1 =	vand.u32 $0xFFFFFC00, v1  }
0x138: {  	v0 =	vor.u32 v0, v1;
	_ =	sdelay $0x3  }
0x139: {  	v56 =	vld [tilespmem:$0x20];
	v55 =	vshll.u32 v2, $0x3  }
0x13a: {  	v2 =	vand.u32 $0x7F, v2;
	v1 =	vand.u32 $0xFFFFFC00, v55;
	v0 =	vld.idx.msk [tilespmem:v0+s11+$0x0], $0xffff  }
0x13b: {  	v1 =	vor.u32 v2, v1;
	_ =	sdelay $0x3  }
0x13c: {  	v3 =	vld [tilespmem:$0x30];
	v57 =	vshll.u32 v56, $0x3;
	[tilespmem:$0x10880] =	vst v0  }
0x13d: {  	v2 =	vand.u32 $0x7F, v56;
	v0 =	vld.idx.msk [tilespmem:v1+s11+$0x0], $0xffff;
	v1 =	vand.u32 $0xFFFFFC00, v57  }
0x13e: {  	v1 =	vor.u32 v2, v1;
	_ =	sdelay $0x3  }
0x13f: {  	v59 =	vld [tilespmem:$0x0];
	v58 =	vshll.u32 v3, $0x3;
	[tilespmem:$0x10890] =	vst v0  }
0x140: {  	v3 =	vand.u32 $0x7F, v3;
	v0 =	vand.u32 $0xFFFFFC00, v58;
	v1 =	vld.idx.msk [tilespmem:v1+s11+$0x0], $0xffff  }
0x141: {  	v0 =	vor.u32 v3, v0;
	_ =	sdelay $0x2  }
0x142: {  	v60 =	vshll.u32 v59, $0x3  }
0x143: {  	v63 =	vld [tilespmem:$0x10];
	v61 =	vand.u32 $0x7F, v59;
	v62 =	vand.u32 $0xFFFFFC00, v60;
	[tilespmem:$0x108A0] =	vst v1  }
0x144: {  	v1 =	vor.u32 v62, v61;
	v0 =	vld.idx.msk [tilespmem:v0+s11+$0x0], $0xffff  }
0x145: {  	v1 =	vor.u32 $0x80, v1;
	_ =	sdelay $0x2  }
0x146: {  	v5 =	vshll.u32 v63, $0x3  }
0x147: {  	v7 =	vld [tilespmem:$0x20];
	v6 =	vand.u32 $0x7F, v63;
	v2 =	vand.u32 $0xFFFFFC00, v5;
	[tilespmem:$0x108B0] =	vst v0  }
0x148: {  	v0 =	vor.u32 v2, v6;
	v1 =	vld.idx.msk [tilespmem:v1+s11+$0x0], $0xffff  }
0x149: {  	v0 =	vor.u32 $0x80, v0;
	_ =	sdelay $0x2  }
0x14a: {  	v8 =	vshll.u32 v7, $0x3  }
0x14b: {  	v10 =	vld [tilespmem:$0x30];
	v9 =	vand.u32 $0x7F, v7;
	v2 =	vand.u32 $0xFFFFFC00, v8;
	[tilespmem:$0x10900] =	vst v1  }
0x14c: {  	v1 =	vor.u32 v2, v9;
	v0 =	vld.idx.msk [tilespmem:v0+s11+$0x0], $0xffff  }
0x14d: {  	v1 =	vor.u32 $0x80, v1;
	_ =	sdelay $0x2  }
0x14e: {  	v11 =	vshll.u32 v10, $0x3  }
0x14f: {  	v13 =	vld [tilespmem:$0x0];
	v12 =	vand.u32 $0x7F, v10;
	v2 =	vand.u32 $0xFFFFFC00, v11;
	[tilespmem:$0x10910] =	vst v0  }
0x150: {  	v0 =	vor.u32 v2, v12;
	v1 =	vld.idx.msk [tilespmem:v1+s11+$0x0], $0xffff  }
0x151: {  	v0 =	vor.u32 $0x80, v0;
	_ =	sdelay $0x2  }
0x152: {  	v14 =	vshll.u32 v13, $0x3  }
0x153: {  	v16 =	vld [tilespmem:$0x10];
	v15 =	vand.u32 $0x7F, v13;
	v2 =	vand.u32 $0xFFFFFC00, v14;
	[tilespmem:$0x10920] =	vst v1  }
0x154: {  	v1 =	vor.u32 v2, v15;
	v0 =	vld.idx.msk [tilespmem:v0+s11+$0x0], $0xffff  }
0x155: {  	v1 =	vor.u32 $0x100, v1;
	_ =	sdelay $0x2  }
0x156: {  	v17 =	vshll.u32 v16, $0x3  }
0x157: {  	v19 =	vld [tilespmem:$0x20];
	v18 =	vand.u32 $0x7F, v16;
	v2 =	vand.u32 $0xFFFFFC00, v17;
	[tilespmem:$0x10930] =	vst v0  }
0x158: {  	v0 =	vor.u32 v2, v18;
	v1 =	vld.idx.msk [tilespmem:v1+s11+$0x0], $0xffff  }
0x159: {  	v0 =	vor.u32 $0x100, v0;
	_ =	sdelay $0x2  }
0x15a: {  	v20 =	vshll.u32 v19, $0x3  }
0x15b: {  	v22 =	vld [tilespmem:$0x30];
	v21 =	vand.u32 $0x7F, v19;
	v2 =	vand.u32 $0xFFFFFC00, v20;
	[tilespmem:$0x10980] =	vst v1  }
0x15c: {  	v1 =	vor.u32 v2, v21;
	v0 =	vld.idx.msk [tilespmem:v0+s11+$0x0], $0xffff  }
0x15d: {  	v1 =	vor.u32 $0x100, v1;
	_ =	sdelay $0x2  }
0x15e: {  	v23 =	vshll.u32 v22, $0x3  }
0x15f: {  	v25 =	vld [tilespmem:$0x0];
	v24 =	vand.u32 $0x7F, v22;
	v2 =	vand.u32 $0xFFFFFC00, v23;
	[tilespmem:$0x10990] =	vst v0  }
0x160: {  	v0 =	vor.u32 v2, v24;
	v1 =	vld.idx.msk [tilespmem:v1+s11+$0x0], $0xffff  }
0x161: {  	v0 =	vor.u32 $0x100, v0;
	_ =	sdelay $0x2  }
0x162: {  	v26 =	vshll.u32 v25, $0x3  }
0x163: {  	v28 =	vld [tilespmem:$0x10];
	v27 =	vand.u32 $0x7F, v25;
	v2 =	vand.u32 $0xFFFFFC00, v26;
	[tilespmem:$0x109A0] =	vst v1  }
0x164: {  	v1 =	vor.u32 v2, v27;
	v0 =	vld.idx.msk [tilespmem:v0+s11+$0x0], $0xffff  }
0x165: {  	v1 =	vor.u32 $0x180, v1;
	_ =	sdelay $0x2  }
0x166: {  	v29 =	vshll.u32 v28, $0x3  }
0x167: {  	v31 =	vld [tilespmem:$0x20];
	v30 =	vand.u32 $0x7F, v28;
	v2 =	vand.u32 $0xFFFFFC00, v29;
	[tilespmem:$0x109B0] =	vst v0  }
0x168: {  	v0 =	vor.u32 v2, v30;
	v1 =	vld.idx.msk [tilespmem:v1+s11+$0x0], $0xffff  }
0x169: {  	v0 =	vor.u32 $0x180, v0;
	_ =	sdelay $0x2  }
0x16a: {  	v32 =	vshll.u32 v31, $0x3  }
0x16b: {  	v34 =	vld [tilespmem:$0x30];
	v33 =	vand.u32 $0x7F, v31;
	v2 =	vand.u32 $0xFFFFFC00, v32;
	[tilespmem:$0x10A00] =	vst v1  }
0x16c: {  	v1 =	vor.u32 v2, v33;
	v0 =	vld.idx.msk [tilespmem:v0+s11+$0x0], $0xffff  }
0x16d: {  	v1 =	vor.u32 $0x180, v1;
	_ =	sdelay $0x2  }
0x16e: {  	v35 =	vshll.u32 v34, $0x3  }
0x16f: {  	v37 =	vld [tilespmem:$0x0];
	v36 =	vand.u32 $0x7F, v34;
	v2 =	vand.u32 $0xFFFFFC00, v35;
	[tilespmem:$0x10A10] =	vst v0  }
0x170: {  	v0 =	vor.u32 v2, v36;
	v1 =	vld.idx.msk [tilespmem:v1+s11+$0x0], $0xffff  }
0x171: {  	v0 =	vor.u32 $0x180, v0;
	_ =	sdelay $0x2  }
0x172: {  	v38 =	vshll.u32 v37, $0x3  }
0x173: {  	v40 =	vld [tilespmem:$0x10];
	v39 =	vand.u32 $0x7F, v37;
	v2 =	vand.u32 $0xFFFFFC00, v38;
	[tilespmem:$0x10A20] =	vst v1  }
0x174: {  	v1 =	vor.u32 v2, v39;
	v0 =	vld.idx.msk [tilespmem:v0+s11+$0x0], $0xffff  }
0x175: {  	v1 =	vor.u32 $0x200, v1;
	_ =	sdelay $0x2  }
0x176: {  	v41 =	vshll.u32 v40, $0x3  }
0x177: {  	v43 =	vld [tilespmem:$0x20];
	v42 =	vand.u32 $0x7F, v40;
	v2 =	vand.u32 $0xFFFFFC00, v41;
	[tilespmem:$0x10A30] =	vst v0  }
0x178: {  	v0 =	vor.u32 v2, v42;
	v1 =	vld.idx.msk [tilespmem:v1+s11+$0x0], $0xffff  }
0x179: {  	v0 =	vor.u32 $0x200, v0;
	_ =	sdelay $0x2  }
0x17a: {  	v44 =	vshll.u32 v43, $0x3  }
0x17b: {  	v46 =	vld [tilespmem:$0x30];
	v45 =	vand.u32 $0x7F, v43;
	v2 =	vand.u32 $0xFFFFFC00, v44;
	[tilespmem:$0x10A80] =	vst v1  }
0x17c: {  	v1 =	vor.u32 v2, v45;
	v0 =	vld.idx.msk [tilespmem:v0+s11+$0x0], $0xffff  }
0x17d: {  	v1 =	vor.u32 $0x200, v1;
	_ =	sdelay $0x2  }
0x17e: {  	v47 =	vshll.u32 v46, $0x3  }
0x17f: {  	v49 =	vld [tilespmem:$0x0];
	v48 =	vand.u32 $0x7F, v46;
	v2 =	vand.u32 $0xFFFFFC00, v47;
	[tilespmem:$0x10A90] =	vst v0  }
0x180: {  	v0 =	vor.u32 v2, v48;
	v1 =	vld.idx.msk [tilespmem:v1+s11+$0x0], $0xffff  }
0x181: {  	v0 =	vor.u32 $0x200, v0;
	_ =	sdelay $0x2  }
0x182: {  	v50 =	vshll.u32 v49, $0x3  }
0x183: {  	v52 =	vld [tilespmem:$0x10];
	v51 =	vand.u32 $0x7F, v49;
	v2 =	vand.u32 $0xFFFFFC00, v50;
	[tilespmem:$0x10AA0] =	vst v1  }
0x184: {  	v1 =	vor.u32 v2, v51;
	v0 =	vld.idx.msk [tilespmem:v0+s11+$0x0], $0xffff  }
0x185: {  	v1 =	vor.u32 $0x280, v1;
	_ =	sdelay $0x2  }
0x186: {  	v53 =	vshll.u32 v52, $0x3  }
0x187: {  	v54 =	vand.u32 $0x7F, v52;
	v55 =	vld [tilespmem:$0x20];
	v2 =	vand.u32 $0xFFFFFC00, v53;
	[tilespmem:$0x10AB0] =	vst v0  }
0x188: {  	v0 =	vor.u32 v2, v54;
	v1 =	vld.idx.msk [tilespmem:v1+s11+$0x0], $0xffff  }
0x189: {  	v0 =	vor.u32 $0x280, v0;
	_ =	sdelay $0x2  }
0x18a: {  	v56 =	vshll.u32 v55, $0x3  }
0x18b: {  	v57 =	vand.u32 $0x7F, v55;
	v58 =	vld [tilespmem:$0x30];
	v2 =	vand.u32 $0xFFFFFC00, v56;
	[tilespmem:$0x10B00] =	vst v1  }
0x18c: {  	v1 =	vor.u32 v2, v57;
	v0 =	vld.idx.msk [tilespmem:v0+s11+$0x0], $0xffff  }
0x18d: {  	v1 =	vor.u32 $0x280, v1;
	_ =	sdelay $0x2  }
0x18e: {  	v59 =	vshll.u32 v58, $0x3  }
0x18f: {  	v60 =	vand.u32 $0x7F, v58;
	v61 =	vld [tilespmem:$0x0];
	v2 =	vand.u32 $0xFFFFFC00, v59;
	[tilespmem:$0x10B10] =	vst v0  }
0x190: {  	v0 =	vor.u32 v2, v60;
	v1 =	vld.idx.msk [tilespmem:v1+s11+$0x0], $0xffff  }
0x191: {  	v0 =	vor.u32 $0x280, v0;
	_ =	sdelay $0x2  }
0x192: {  	v62 =	vshll.u32 v61, $0x3  }
0x193: {  	v63 =	vand.u32 $0x7F, v61;
	v6 =	vld [tilespmem:$0x10];
	v2 =	vand.u32 $0xFFFFFC00, v62;
	[tilespmem:$0x10B20] =	vst v1  }
0x194: {  	v1 =	vor.u32 v2, v63;
	v0 =	vld.idx.msk [tilespmem:v0+s11+$0x0], $0xffff  }
0x195: {  	v1 =	vor.u32 $0x300, v1;
	_ =	sdelay $0x2  }
0x196: {  	v7 =	vshll.u32 v6, $0x3  }
0x197: {  	v8 =	vand.u32 $0x7F, v6;
	v9 =	vld [tilespmem:$0x20];
	v2 =	vand.u32 $0xFFFFFC00, v7;
	[tilespmem:$0x10B30] =	vst v0  }
0x198: {  	v0 =	vor.u32 v2, v8;
	v1 =	vld.idx.msk [tilespmem:v1+s11+$0x0], $0xffff  }
0x199: {  	v0 =	vor.u32 $0x300, v0;
	_ =	sdelay $0x2  }
0x19a: {  	v10 =	vshll.u32 v9, $0x3  }
0x19b: {  	v11 =	vand.u32 $0x7F, v9;
	v12 =	vld [tilespmem:$0x30];
	v2 =	vand.u32 $0xFFFFFC00, v10;
	[tilespmem:$0x10B80] =	vst v1  }
0x19c: {  	v1 =	vor.u32 v2, v11;
	v0 =	vld.idx.msk [tilespmem:v0+s11+$0x0], $0xffff  }
0x19d: {  	v1 =	vor.u32 $0x300, v1;
	_ =	sdelay $0x2  }
0x19e: {  	v13 =	vshll.u32 v12, $0x3  }
0x19f: {  	v14 =	vand.u32 $0x7F, v12;
	v15 =	vld [tilespmem:$0x0];
	v2 =	vand.u32 $0xFFFFFC00, v13;
	[tilespmem:$0x10B90] =	vst v0  }
0x1a0: {  	v0 =	vor.u32 v2, v14;
	v1 =	vld.idx.msk [tilespmem:v1+s11+$0x0], $0xffff  }
0x1a1: {  	v0 =	vor.u32 $0x300, v0;
	_ =	sdelay $0x2  }
0x1a2: {  	v16 =	vshll.u32 v15, $0x3  }
0x1a3: {  	v17 =	vand.u32 $0x7F, v15;
	v18 =	vld [tilespmem:$0x10];
	v2 =	vand.u32 $0xFFFFFC00, v16;
	[tilespmem:$0x10BA0] =	vst v1  }
0x1a4: {  	v1 =	vor.u32 v2, v17;
	v0 =	vld.idx.msk [tilespmem:v0+s11+$0x0], $0xffff  }
0x1a5: {  	v1 =	vor.u32 $0x380, v1;
	_ =	sdelay $0x2  }
0x1a6: {  	v19 =	vshll.u32 v18, $0x3  }
0x1a7: {  	v20 =	vand.u32 $0x7F, v18;
	v21 =	vld [tilespmem:$0x20];
	v2 =	vand.u32 $0xFFFFFC00, v19;
	[tilespmem:$0x10BB0] =	vst v0  }
0x1a8: {  	v0 =	vor.u32 v2, v20;
	v1 =	vld.idx.msk [tilespmem:v1+s11+$0x0], $0xffff  }
0x1a9: {  	v0 =	vor.u32 $0x380, v0;
	_ =	sdelay $0x2  }
0x1aa: {  	v22 =	vshll.u32 v21, $0x3  }
0x1ab: {  	v23 =	vand.u32 $0x7F, v21;
	v24 =	vld [tilespmem:$0x30];
	v2 =	vand.u32 $0xFFFFFC00, v22;
	[tilespmem:$0x10C00] =	vst v1  }
0x1ac: {  	v1 =	vor.u32 v2, v23;
	v0 =	vld.idx.msk [tilespmem:v0+s11+$0x0], $0xffff  }
0x1ad: {  	v1 =	vor.u32 $0x380, v1;
	_ =	sdelay $0x2  }
0x1ae: {  	v25 =	vshll.u32 v24, $0x3  }
0x1af: {  	v26 =	vand.u32 $0x7F, v24;
	v27 =	vld [tilespmem:$0x0];
	v2 =	vand.u32 $0xFFFFFC00, v25;
	[tilespmem:$0x10C10] =	vst v0  }
0x1b0: {  	v0 =	vor.u32 v2, v26;
	v1 =	vld.idx.msk [tilespmem:v1+s11+$0x0], $0xffff  }
0x1b1: {  	v0 =	vor.u32 $0x380, v0;
	_ =	sdelay $0x2  }
0x1b2: {  	v28 =	vshll.u32 v27, $0x3  }
0x1b3: {  	v29 =	vand.u32 $0x7F, v27;
	v30 =	vld [tilespmem:$0x10];
	v2 =	vand.u32 $0xFFFFFC00, v28;
	[tilespmem:$0x10C20] =	vst v1  }
0x1b4: {  	v1 =	vor.u32 v29, v2;
	v0 =	vld.idx.msk [tilespmem:v0+s11+$0x0], $0xffff  }
0x1b5: {  	v1 =	vadd.s32 $0x4000, v1;
	_ =	sdelay $0x2  }
0x1b6: {  	v31 =	vshll.u32 v30, $0x3  }
0x1b7: {  	v32 =	vand.u32 $0x7F, v30;
	v33 =	vld [tilespmem:$0x20];
	v2 =	vand.u32 $0xFFFFFC00, v31;
	[tilespmem:$0x10C30] =	vst v0  }
0x1b8: {  	v0 =	vor.u32 v32, v2;
	v1 =	vld.idx.msk [tilespmem:v1+s11+$0x0], $0xffff  }
0x1b9: {  	v0 =	vadd.s32 $0x4000, v0;
	_ =	sdelay $0x2  }
0x1ba: {  	v34 =	vshll.u32 v33, $0x3  }
0x1bb: {  	v35 =	vand.u32 $0x7F, v33;
	v36 =	vld [tilespmem:$0x30];
	v2 =	vand.u32 $0xFFFFFC00, v34;
	[tilespmem:$0x10C80] =	vst v1  }
0x1bc: {  	v1 =	vor.u32 v35, v2;
	v0 =	vld.idx.msk [tilespmem:v0+s11+$0x0], $0xffff  }
0x1bd: {  	v1 =	vadd.s32 $0x4000, v1;
	_ =	sdelay $0x2  }
0x1be: {  	v37 =	vshll.u32 v36, $0x3  }
0x1bf: {  	v38 =	vand.u32 $0x7F, v36;
	v39 =	vld [tilespmem:$0x0];
	v2 =	vand.u32 $0xFFFFFC00, v37;
	[tilespmem:$0x10C90] =	vst v0  }
0x1c0: {  	v0 =	vor.u32 v38, v2;
	v1 =	vld.idx.msk [tilespmem:v1+s11+$0x0], $0xffff  }
0x1c1: {  	v0 =	vadd.s32 $0x4000, v0;
	_ =	sdelay $0x2  }
0x1c2: {  	v40 =	vshll.u32 v39, $0x3  }
0x1c3: {  	v41 =	vand.u32 $0x7F, v39;
	v42 =	vld [tilespmem:$0x10];
	v2 =	vand.u32 $0xFFFFFC00, v40;
	[tilespmem:$0x10CA0] =	vst v1  }
0x1c4: {  	v1 =	vor.u32 v41, v2;
	v0 =	vld.idx.msk [tilespmem:v0+s11+$0x0], $0xffff  }
0x1c5: {  	v1 =	vadd.s32 $0x4080, v1;
	_ =	sdelay $0x2  }
0x1c6: {  	v43 =	vshll.u32 v42, $0x3  }
0x1c7: {  	v44 =	vand.u32 $0x7F, v42;
	v45 =	vld [tilespmem:$0x20];
	v2 =	vand.u32 $0xFFFFFC00, v43;
	[tilespmem:$0x10CB0] =	vst v0  }
0x1c8: {  	v0 =	vor.u32 v44, v2;
	v1 =	vld.idx.msk [tilespmem:v1+s11+$0x0], $0xffff  }
0x1c9: {  	v0 =	vadd.s32 $0x4080, v0;
	_ =	sdelay $0x2  }
0x1ca: {  	v46 =	vshll.u32 v45, $0x3  }
0x1cb: {  	v47 =	vand.u32 $0x7F, v45;
	v48 =	vld [tilespmem:$0x30];
	v2 =	vand.u32 $0xFFFFFC00, v46;
	[tilespmem:$0x10D00] =	vst v1  }
0x1cc: {  	v1 =	vor.u32 v47, v2;
	v0 =	vld.idx.msk [tilespmem:v0+s11+$0x0], $0xffff  }
0x1cd: {  	v1 =	vadd.s32 $0x4080, v1;
	_ =	sdelay $0x2  }
0x1ce: {  	v49 =	vshll.u32 v48, $0x3  }
0x1cf: {  	v50 =	vand.u32 $0x7F, v48;
	v51 =	vld [tilespmem:$0x0];
	v2 =	vand.u32 $0xFFFFFC00, v49;
	[tilespmem:$0x10D10] =	vst v0  }
0x1d0: {  	v0 =	vor.u32 v50, v2;
	v1 =	vld.idx.msk [tilespmem:v1+s11+$0x0], $0xffff  }
0x1d1: {  	v0 =	vadd.s32 $0x4080, v0;
	_ =	sdelay $0x2  }
0x1d2: {  	v52 =	vshll.u32 v51, $0x3  }
0x1d3: {  	v53 =	vand.u32 $0x7F, v51;
	v54 =	vld [tilespmem:$0x10];
	v2 =	vand.u32 $0xFFFFFC00, v52;
	[tilespmem:$0x10D20] =	vst v1  }
0x1d4: {  	v1 =	vor.u32 v53, v2;
	v0 =	vld.idx.msk [tilespmem:v0+s11+$0x0], $0xffff  }
0x1d5: {  	v1 =	vadd.s32 $0x4100, v1;
	_ =	sdelay $0x2  }
0x1d6: {  	v55 =	vshll.u32 v54, $0x3  }
0x1d7: {  	v56 =	vand.u32 $0x7F, v54;
	v57 =	vld [tilespmem:$0x20];
	v2 =	vand.u32 $0xFFFFFC00, v55;
	[tilespmem:$0x10D30] =	vst v0  }
0x1d8: {  	v0 =	vor.u32 v56, v2;
	v1 =	vld.idx.msk [tilespmem:v1+s11+$0x0], $0xffff  }
0x1d9: {  	v0 =	vadd.s32 $0x4100, v0;
	_ =	sdelay $0x2  }
0x1da: {  	v58 =	vshll.u32 v57, $0x3  }
0x1db: {  	v59 =	vand.u32 $0x7F, v57;
	v60 =	vld [tilespmem:$0x30];
	v2 =	vand.u32 $0xFFFFFC00, v58;
	[tilespmem:$0x10D80] =	vst v1  }
0x1dc: {  	v1 =	vor.u32 v59, v2;
	v0 =	vld.idx.msk [tilespmem:v0+s11+$0x0], $0xffff  }
0x1dd: {  	v1 =	vadd.s32 $0x4100, v1;
	_ =	sdelay $0x2  }
0x1de: {  	v61 =	vshll.u32 v60, $0x3  }
0x1df: {  	v62 =	vand.u32 $0x7F, v60;
	v63 =	vld [tilespmem:$0x0];
	v2 =	vand.u32 $0xFFFFFC00, v61;
	[tilespmem:$0x10D90] =	vst v0  }
0x1e0: {  	v0 =	vor.u32 v62, v2;
	v1 =	vld.idx.msk [tilespmem:v1+s11+$0x0], $0xffff  }
0x1e1: {  	v0 =	vadd.s32 $0x4100, v0;
	_ =	sdelay $0x2  }
0x1e2: {  	v5 =	vshll.u32 v63, $0x3  }
0x1e3: {  	v7 =	vld [tilespmem:$0x10];
	v6 =	vand.u32 $0x7F, v63;
	v2 =	vand.u32 $0xFFFFFC00, v5;
	[tilespmem:$0x10DA0] =	vst v1  }
0x1e4: {  	v1 =	vor.u32 v6, v2;
	v0 =	vld.idx.msk [tilespmem:v0+s11+$0x0], $0xffff  }
0x1e5: {  	v1 =	vadd.s32 $0x4180, v1;
	_ =	sdelay $0x2  }
0x1e6: {  	v8 =	vshll.u32 v7, $0x3  }
0x1e7: {  	v9 =	vand.u32 $0x7F, v7;
	v10 =	vld [tilespmem:$0x20];
	v2 =	vand.u32 $0xFFFFFC00, v8;
	[tilespmem:$0x10DB0] =	vst v0  }
0x1e8: {  	v0 =	vor.u32 v9, v2;
	v1 =	vld.idx.msk [tilespmem:v1+s11+$0x0], $0xffff  }
0x1e9: {  	v0 =	vadd.s32 $0x4180, v0;
	_ =	sdelay $0x2  }
0x1ea: {  	v11 =	vshll.u32 v10, $0x3  }
0x1eb: {  	v12 =	vand.u32 $0x7F, v10;
	v13 =	vld [tilespmem:$0x30];
	v2 =	vand.u32 $0xFFFFFC00, v11;
	[tilespmem:$0x10E00] =	vst v1  }
0x1ec: {  	v1 =	vor.u32 v12, v2;
	v0 =	vld.idx.msk [tilespmem:v0+s11+$0x0], $0xffff  }
0x1ed: {  	v1 =	vadd.s32 $0x4180, v1;
	_ =	sdelay $0x2  }
0x1ee: {  	v14 =	vshll.u32 v13, $0x3  }
0x1ef: {  	v15 =	vand.u32 $0x7F, v13;
	v16 =	vld [tilespmem:$0x0];
	v2 =	vand.u32 $0xFFFFFC00, v14;
	[tilespmem:$0x10E10] =	vst v0  }
0x1f0: {  	v0 =	vor.u32 v15, v2;
	v1 =	vld.idx.msk [tilespmem:v1+s11+$0x0], $0xffff  }
0x1f1: {  	v0 =	vadd.s32 $0x4180, v0;
	_ =	sdelay $0x2  }
0x1f2: {  	v17 =	vshll.u32 v16, $0x3  }
0x1f3: {  	v18 =	vand.u32 $0x7F, v16;
	v19 =	vld [tilespmem:$0x10];
	v2 =	vand.u32 $0xFFFFFC00, v17;
	[tilespmem:$0x10E20] =	vst v1  }
0x1f4: {  	v1 =	vor.u32 v18, v2;
	v0 =	vld.idx.msk [tilespmem:v0+s11+$0x0], $0xffff  }
0x1f5: {  	v1 =	vadd.s32 $0x4200, v1;
	_ =	sdelay $0x2  }
0x1f6: {  	v20 =	vshll.u32 v19, $0x3  }
0x1f7: {  	v21 =	vand.u32 $0x7F, v19;
	v22 =	vld [tilespmem:$0x20];
	v2 =	vand.u32 $0xFFFFFC00, v20;
	[tilespmem:$0x10E30] =	vst v0  }
0x1f8: {  	v0 =	vor.u32 v21, v2;
	v1 =	vld.idx.msk [tilespmem:v1+s11+$0x0], $0xffff  }
0x1f9: {  	v0 =	vadd.s32 $0x4200, v0;
	_ =	sdelay $0x2  }
0x1fa: {  	v23 =	vshll.u32 v22, $0x3  }
0x1fb: {  	v24 =	vand.u32 $0x7F, v22;
	v25 =	vld [tilespmem:$0x30];
	v2 =	vand.u32 $0xFFFFFC00, v23;
	[tilespmem:$0x10E80] =	vst v1  }
0x1fc: {  	v1 =	vor.u32 v24, v2;
	v0 =	vld.idx.msk [tilespmem:v0+s11+$0x0], $0xffff  }
0x1fd: {  	v1 =	vadd.s32 $0x4200, v1;
	_ =	sdelay $0x2  }
0x1fe: {  	v26 =	vshll.u32 v25, $0x3  }
0x1ff: {  	v27 =	vand.u32 $0x7F, v25;
	v28 =	vld [tilespmem:$0x0];
	v2 =	vand.u32 $0xFFFFFC00, v26;
	[tilespmem:$0x10E90] =	vst v0  }
0x200: {  	v0 =	vor.u32 v27, v2;
	v1 =	vld.idx.msk [tilespmem:v1+s11+$0x0], $0xffff  }
0x201: {  	v0 =	vadd.s32 $0x4200, v0;
	_ =	sdelay $0x2  }
0x202: {  	v29 =	vshll.u32 v28, $0x3  }
0x203: {  	v30 =	vand.u32 $0x7F, v28;
	v31 =	vld [tilespmem:$0x10];
	v2 =	vand.u32 $0xFFFFFC00, v29;
	[tilespmem:$0x10EA0] =	vst v1  }
0x204: {  	v1 =	vor.u32 v30, v2;
	v0 =	vld.idx.msk [tilespmem:v0+s11+$0x0], $0xffff  }
0x205: {  	v1 =	vadd.s32 $0x4280, v1;
	_ =	sdelay $0x2  }
0x206: {  	v32 =	vshll.u32 v31, $0x3  }
0x207: {  	v33 =	vand.u32 $0x7F, v31;
	v34 =	vld [tilespmem:$0x20];
	v2 =	vand.u32 $0xFFFFFC00, v32;
	[tilespmem:$0x10EB0] =	vst v0  }
0x208: {  	v0 =	vor.u32 v33, v2;
	v1 =	vld.idx.msk [tilespmem:v1+s11+$0x0], $0xffff  }
0x209: {  	v0 =	vadd.s32 $0x4280, v0;
	_ =	sdelay $0x2  }
0x20a: {  	v35 =	vshll.u32 v34, $0x3  }
0x20b: {  	v36 =	vand.u32 $0x7F, v34;
	v37 =	vld [tilespmem:$0x30];
	v2 =	vand.u32 $0xFFFFFC00, v35;
	[tilespmem:$0x10F00] =	vst v1  }
0x20c: {  	v1 =	vor.u32 v36, v2;
	v0 =	vld.idx.msk [tilespmem:v0+s11+$0x0], $0xffff  }
0x20d: {  	v1 =	vadd.s32 $0x4280, v1;
	_ =	sdelay $0x2  }
0x20e: {  	v38 =	vshll.u32 v37, $0x3  }
0x20f: {  	v39 =	vand.u32 $0x7F, v37;
	v40 =	vld [tilespmem:$0x0];
	v2 =	vand.u32 $0xFFFFFC00, v38;
	[tilespmem:$0x10F10] =	vst v0  }
0x210: {  	v0 =	vor.u32 v39, v2;
	v1 =	vld.idx.msk [tilespmem:v1+s11+$0x0], $0xffff  }
0x211: {  	v0 =	vadd.s32 $0x4280, v0;
	_ =	sdelay $0x2  }
0x212: {  	v41 =	vshll.u32 v40, $0x3  }
0x213: {  	v42 =	vand.u32 $0x7F, v40;
	v43 =	vld [tilespmem:$0x10];
	v2 =	vand.u32 $0xFFFFFC00, v41;
	[tilespmem:$0x10F20] =	vst v1  }
0x214: {  	v1 =	vor.u32 v42, v2;
	v0 =	vld.idx.msk [tilespmem:v0+s11+$0x0], $0xffff  }
0x215: {  	v1 =	vadd.s32 $0x4300, v1;
	_ =	sdelay $0x2  }
0x216: {  	v44 =	vshll.u32 v43, $0x3  }
0x217: {  	v45 =	vand.u32 $0x7F, v43;
	v46 =	vld [tilespmem:$0x20];
	v2 =	vand.u32 $0xFFFFFC00, v44;
	[tilespmem:$0x10F30] =	vst v0  }
0x218: {  	v0 =	vor.u32 v45, v2;
	v1 =	vld.idx.msk [tilespmem:v1+s11+$0x0], $0xffff  }
0x219: {  	v0 =	vadd.s32 $0x4300, v0;
	_ =	sdelay $0x2  }
0x21a: {  	v47 =	vshll.u32 v46, $0x3  }
0x21b: {  	v48 =	vand.u32 $0x7F, v46;
	v49 =	vld [tilespmem:$0x30];
	v2 =	vand.u32 $0xFFFFFC00, v47;
	[tilespmem:$0x10F80] =	vst v1  }
0x21c: {  	v1 =	vor.u32 v48, v2;
	v0 =	vld.idx.msk [tilespmem:v0+s11+$0x0], $0xffff  }
0x21d: {  	v1 =	vadd.s32 $0x4300, v1;
	_ =	sdelay $0x2  }
0x21e: {  	v50 =	vshll.u32 v49, $0x3  }
0x21f: {  	v51 =	vand.u32 $0x7F, v49;
	v52 =	vld [tilespmem:$0x0];
	v2 =	vand.u32 $0xFFFFFC00, v50;
	[tilespmem:$0x10F90] =	vst v0  }
0x220: {  	v0 =	vor.u32 v51, v2;
	v1 =	vld.idx.msk [tilespmem:v1+s11+$0x0], $0xffff  }
0x221: {  	v0 =	vadd.s32 $0x4300, v0;
	_ =	sdelay $0x2  }
0x222: {  	v53 =	vshll.u32 v52, $0x3  }
0x223: {  	v54 =	vand.u32 $0x7F, v52;
	v55 =	vld [tilespmem:$0x10];
	v2 =	vand.u32 $0xFFFFFC00, v53;
	[tilespmem:$0x10FA0] =	vst v1  }
0x224: {  	v1 =	vor.u32 v54, v2;
	v0 =	vld.idx.msk [tilespmem:v0+s11+$0x0], $0xffff  }
0x225: {  	v1 =	vadd.s32 $0x4380, v1;
	_ =	sdelay $0x2  }
0x226: {  	v56 =	vshll.u32 v55, $0x3  }
0x227: {  	v57 =	vand.u32 $0x7F, v55;
	v58 =	vld [tilespmem:$0x20];
	v2 =	vand.u32 $0xFFFFFC00, v56;
	[tilespmem:$0x10FB0] =	vst v0  }
0x228: {  	v0 =	vor.u32 v57, v2;
	v1 =	vld.idx.msk [tilespmem:v1+s11+$0x0], $0xffff  }
0x229: {  	v0 =	vadd.s32 $0x4380, v0;
	_ =	sdelay $0x2  }
0x22a: {  	v59 =	vshll.u32 v58, $0x3  }
0x22b: {  	v60 =	vand.u32 $0x7F, v58;
	v61 =	vld [tilespmem:$0x30];
	v2 =	vand.u32 $0xFFFFFC00, v59;
	[tilespmem:$0x11000] =	vst v1  }
0x22c: {  	v1 =	vor.u32 v60, v2;
	v0 =	vld.idx.msk [tilespmem:v0+s11+$0x0], $0xffff  }
0x22d: {  	v1 =	vadd.s32 $0x4380, v1;
	_ =	sdelay $0x2  }
0x22e: {  	v62 =	vshll.u32 v61, $0x3  }
0x22f: {  	v63 =	vand.u32 $0x7F, v61;
	v2 =	vand.u32 $0xFFFFFC00, v62;
	[tilespmem:$0x11010] =	vst v0  }
0x230: {  	v0 =	vor.u32 v63, v2;
	v1 =	vld.idx.msk [tilespmem:v1+s11+$0x0], $0xffff  }
0x231: {  	v0 =	vadd.s32 $0x4380, v0;
	_ =	sdelay $0x3  }
0x232: {  	[tilespmem:$0x11020] =	vst v1  }
0x233: {  	v0 =	vld.idx.msk [tilespmem:v0+s11+$0x0], $0xffff  }
0x234: {  	p0 =	seq.s32 s20, $0x1E00  }
.Ltmp5:
0x235: {  	_ = 	snop;
	(pc) =	sbr.rel @p0 .LBB2_8-.Ltmp5, $3  }
0x236: {  	_ =	sdelay $0x1  }
0x237: {  	s21 =	sadd.s32 $0x100, s21;
	[tilespmem:$0x11030] =	vst v0  }
0x238: {  	[hbm4b:s21+s3] =	stream.linear.scatter [tilespmem:s16], [sflag:$0x4], $0x800, $0x38;
	[tilespmem:$0x11080] =	vst v63  }
.Ltmp6:
0x239: {  	(pc) =	sbr.rel .LBB2_2-.Ltmp6, $3  }
0x23a: {  	_ =	sdelay $0x1  }
0x23b: {  	[tilespmem:s11], [sflag:$0x2] =	stream.linear.gather [hbm4b:s19+s3], $0x8000, $0x38;
	[tilespmem:$0x11080] =	vst v63  }
0x23c: {  	s20 =	sadd.s32 $0x200, s20;
	s19 =	sadd.s32 $0x2000, s19  }
.LBB2_9:
0x23d: {  	_ =	sfence.sel $0x180000  }
0x23e: {  	[bflag:$0x0] =	sbarrier.arrive $0xFFFF  }
0x23f: {  	p0 =	sne.s32 s2, $0x0;
	_ =	strace $0x90000047  }
0x240: {  	s0 =	sadd.s32 @!p0 $0x100000, s0;
	[bflag:$0x2] =	sbarrier.arrive $0xFFFF  }
0x241: {  	[sflag:s0] =	ssyncadd.tile.s32 @!p0 $0x1;
	_ =	shalt  }
.Lfunc_end2:
_tile_overlayer_lowered:
.L_overlay_start_2:
0x242: {  	(tag) =	ssettag $0x2  }
0x243: {  	s0 =	rddreg [dreg:$0x0];
	s2 =	stileid.u32  }
0x244: {  	s1 =	rddreg [dreg:$0x1];
	p0 =	sne.s32 s2, $0x0  }
0x245: {  	s3 =	rddreg [dreg:$0x2];
	[bflag:$0x3] =	sbarrier.arrive $0xFFFF;
	s2 =	simm.s32 @!p0 $0x1C05  }
0x246: {  	[timem:s3], [sflag:s2] =	dma.local @!p0 [hbm:s0], s1  }
0x247: {  	s0 =	simm.s32 @!p0 $0x5  }
0x248: {  	_ =	swait.ge @!p0 [sflag:s0], s1  }
0x249: {  	s1 =	ssub.s32 @!p0 $0x0, s1;
	[sflag:s0] =	ssyncset.done @!p0 $0x0  }
0x24a: {  	[sflag:s0] =	ssyncadd.s32 @!p0 s1  }
0x24b: {  	[bflag:$0x3] =	sbarrier.arrive $0xFFFF  }
0x24c: {  	_ =	shalt  }

</sc_bundles>
